<compile_context>
chip_gen: v7x
topology: tpu7x:2x2x1
jax: 0.10.2.dev20260603
libtpu: 0.0.44.dev20260713+nightly
codegen_flags: <defaults>
</compile_context>

<pallas_src>
import functools

import jax
import jax.numpy as jnp
from jax import lax
from jax.experimental import pallas as pl
from jax.experimental.pallas import tpu as pltpu
from jax.experimental.pallas import tpu_sc as plsc

D = 128
NC, NS = 2, 16
NW = NC * NS
CHUNK = 128
NBUF = 4

_F32 = jnp.float32


@functools.partial(jax.jit, static_argnames=("nc0", "nc1"))
def _sc_gather(h, idx2d, *, nc0, nc1):
    nc_max = max(nc0, nc1)
    b_rows = NS * (nc0 + nc1) * CHUNK
    dt = h.dtype
    w = h.shape[1]
    mesh = plsc.VectorSubcoreMesh(core_axis_name="c", subcore_axis_name="s")

    def body(h_hbm, idx_hbm, out_hbm, idx_v, bufs, gsems, wsems):
        cid = lax.axis_index("c")
        sid = lax.axis_index("s")
        my_nc = jnp.where(cid == 0, nc0, nc1)
        base_chunk = pl.multiple_of(
            jnp.where(cid == 0, sid * nc0, NS * nc0 + sid * nc1), 8)
        pltpu.sync_copy(idx_hbm.at[pl.ds(base_chunk, nc_max)], idx_v)

        def out_rows(j):
            return out_hbm.at[pl.ds(
                pl.multiple_of((base_chunk + j) * CHUNK, CHUNK), CHUNK)]

        for b in range(NBUF):
            pltpu.async_copy(h_hbm.at[idx_v.at[b]], bufs.at[b], gsems.at[b])

        def round4(i, carry):
            for b in range(NBUF):
                j = NBUF * i + b
                pltpu.make_async_copy(
                    h_hbm.at[idx_v.at[j]], bufs.at[b], gsems.at[b]).wait()
                pltpu.async_copy(bufs.at[b], out_rows(j), wsems.at[b])
            for b in range(NBUF):
                jn = NBUF * (i + 1) + b

                @pl.when(jn < my_nc)
                def _():
                    pltpu.make_async_copy(
                        bufs.at[b], out_rows(jn - NBUF), wsems.at[b]).wait()
                    pltpu.async_copy(
                        h_hbm.at[idx_v.at[jn]], bufs.at[b], gsems.at[b])

            return carry

        lax.fori_loop(0, my_nc // NBUF, round4, 0)
        for b in range(NBUF):
            pltpu.make_async_copy(
                bufs.at[b], out_rows(0), wsems.at[b]).wait()

    fn = pl.kernel(
        body,
        out_type=jax.ShapeDtypeStruct((b_rows, w), dt),
        mesh=mesh,
        scratch_types=[
            pltpu.VMEM((nc_max, CHUNK), jnp.int32),
            pltpu.VMEM((NBUF, CHUNK, w), dt),
            pltpu.SemaphoreType.DMA((NBUF,)),
            pltpu.SemaphoreType.DMA((NBUF,)),
        ],
    )
    return fn(h, idx2d)


def _dot(a, b):
    return jnp.dot(a, b, preferred_element_type=_F32)


def _tail(a, w2, b2, w3, b3):
    a = jnp.maximum(a, 0.0)
    a = jnp.maximum(_dot(a, w2) + b2, 0.0)
    a = jnp.maximum(_dot(a, w3) + b3, 0.0)
    return a


def _full_spec(arr):
    return pl.BlockSpec(arr.shape, lambda g: (0,) * arr.ndim)


def _level_mlp(G, col_offsets, seq, heads, n_rows, block_rows):
    k = len(col_offsets)
    (w1, b1), (w2, b2), (w3, b3) = seq
    wh = jnp.concatenate([w for (w, _) in heads], axis=1)
    bh = jnp.concatenate([b for (_, b) in heads])[None, :]
    b1, b2, b3 = b1[None, :], b2[None, :], b3[None, :]
    nh = wh.shape[1]

    def body(*refs):
        col_refs, (w1r, b1r, w2r, b2r, w3r, b3r, whr, bhr, out) = refs[:k], refs[k:]
        w1v = w1r[...]
        accf = None
        accr = None
        for i in range(k):
            cv = col_refs[i][...]
            df = _dot(cv, w1v[i * D:(i + 1) * D])
            dr = _dot(cv, w1v[(k - 1 - i) * D:(k - i) * D])
            accf = df if accf is None else accf + df
            accr = dr if accr is None else accr + dr
        zf = _tail(accf + b1r[...], w2r[...], b2r[...], w3r[...], b3r[...])
        zr = _tail(accr + b1r[...], w2r[...], b2r[...], w3r[...], b3r[...])
        z = zf + zr
        out[...] = _dot(z, whr[...]) + bhr[...]

    assert n_rows % block_rows == 0
    col_specs = []
    for off in col_offsets:
        assert off % block_rows == 0
        col_specs.append(pl.BlockSpec(
            (block_rows, D),
            functools.partial(lambda o, g: (o + g, 0), off // block_rows)))
    weights = (w1, b1, w2, b2, w3, b3, wh, bh)
    return pl.pallas_call(
        body,
        grid=(n_rows // block_rows,),
        in_specs=col_specs + [_full_spec(w) for w in weights],
        out_specs=pl.BlockSpec((block_rows, nh), lambda g: (g, 0)),
        out_shape=jax.ShapeDtypeStruct((n_rows, nh), _F32),
    )(*([G] * k + list(weights)))


def _level1_mlp(h, seq, heads, block_rows):
    (w1, b1), (w2, b2), (w3, b3) = seq
    wh = jnp.concatenate([w for (w, _) in heads], axis=1)
    bh = jnp.concatenate([b for (_, b) in heads])[None, :]
    b1, b2, b3 = b1[None, :], b2[None, :], b3[None, :]
    nh = wh.shape[1]
    n_rows = h.shape[0]

    def body(hr, w1r, b1r, w2r, b2r, w3r, b3r, whr, bhr, out):
        a = _tail(_dot(hr[...], w1r[...]) + b1r[...],
                  w2r[...], b2r[...], w3r[...], b3r[...])
        out[...] = _dot(a, whr[...]) + bhr[...]

    assert n_rows % block_rows == 0
    weights = (w1, b1, w2, b2, w3, b3, wh, bh)
    return pl.pallas_call(
        body,
        grid=(n_rows // block_rows,),
        in_specs=[pl.BlockSpec((block_rows, D), lambda g: (g, 0))]
                 + [_full_spec(w) for w in weights],
        out_specs=pl.BlockSpec((block_rows, nh), lambda g: (g, 0)),
        out_shape=jax.ShapeDtypeStruct((n_rows, nh), _F32),
    )(h, *weights)


def _pad_idx(flat):
    b = flat.shape[0]
    tot = -(-b // (NS * CHUNK * 16)) * 16
    nc0 = tot // 2
    nc1 = tot - nc0
    assert nc1 % 8 == 0 and nc0 % 8 == 0 and min(nc0, nc1) >= NBUF
    idx_len = (NS * nc0 + (NS - 1) * nc1 + max(nc0, nc1)) * CHUNK
    flat = jnp.concatenate([flat, jnp.zeros((idx_len - b,), jnp.int32)])
    return flat.reshape(-1, CHUNK), nc0, nc1


def kernel(h, idx2, idx3, idx4, params):
    n2, n3, n4 = idx2.shape[0], idx3.shape[0], idx4.shape[0]

    flat = jnp.concatenate(
        [idx2.T.reshape(-1), idx3.T.reshape(-1), idx4.T.reshape(-1)])
    idx2d, nc0, nc1 = _pad_idx(flat)

    G = _sc_gather(h, idx2d, nc0=nc0, nc1=nc1)

    off2 = (0, n2)
    off3 = (2 * n2, 2 * n2 + n3, 2 * n2 + 2 * n3)
    base4 = 2 * n2 + 3 * n3
    off4 = (base4, base4 + n4, base4 + 2 * n4, base4 + 3 * n4)

    p = params
    o1 = _level1_mlp(h, p["seq1"],
                     (p["head_1_sigma"], p["head_1_epsilon"], p["head_1_q"]),
                     block_rows=2000)
    o2 = _level_mlp(G, off2, p["seq2"], (p["head_2_k"], p["head_2_eq"]),
                    n_rows=n2, block_rows=2000)
    o3 = _level_mlp(G, off3, p["seq3"], (p["head_3_k"], p["head_3_eq"]),
                    n_rows=n3, block_rows=2000)
    o4 = _level_mlp(G, off4, p["seq4"], (p["head_4_k"], p["head_4_eq"]),
                    n_rows=n4, block_rows=2000)

    def col(o, i):
        return jax.lax.optimization_barrier(o[:, i]).reshape(-1, 1)

    return (col(o1, 0), col(o1, 1), col(o1, 2),
            col(o2, 0), col(o2, 1),
            col(o3, 0), col(o3, 1),
            col(o4, 0), col(o4, 1))

# --- scband reference (transcript-rebuilt; emitter-appended) ---
"""Pipeline reference for scband-janossy-pooling-1408749273395 (READ-ONLY COPY).

The authoritative reference and input builder live on the scoring server;
editing this copy changes nothing except your own understanding.
"""

import jax, jax.numpy as jnp
import numpy as np

N1, N2, N3, N4, D, HID = 50000, 50000, 60000, 60000, 128, 128


def _linear_init(key, d_in, d_out):
    W = jax.random.normal(key, (d_in, d_out), dtype=jnp.float32) / np.sqrt(d_in)
    b = jnp.zeros((d_out,), dtype=jnp.float32)
    return (W, b)


def _seq_init(key, d_in):
    ks = jax.random.split(key, 3)
    return [_linear_init(ks[0], d_in, HID), _linear_init(ks[1], HID, HID), _linear_init(ks[2], HID, HID)]


def setup_inputs(seed: int = 0):
    key = jax.random.key(seed)
    ks = jax.random.split(key, 20)
    h = jax.random.normal(ks[0], (N1, D), dtype=jnp.float32)
    idx2 = jax.random.randint(ks[1], (N2, 2), 0, N1, dtype=jnp.int32)
    idx3 = jax.random.randint(ks[2], (N3, 3), 0, N1, dtype=jnp.int32)
    idx4 = jax.random.randint(ks[3], (N4, 4), 0, N1, dtype=jnp.int32)
    params = {
        "seq1": _seq_init(ks[4], D),
        "seq2": _seq_init(ks[5], 2 * D),
        "seq3": _seq_init(ks[6], 3 * D),
        "seq4": _seq_init(ks[7], 4 * D),
        "head_1_sigma": _linear_init(ks[8], HID, 1),
        "head_1_epsilon": _linear_init(ks[9], HID, 1),
        "head_1_q": _linear_init(ks[10], HID, 1),
        "head_2_k": _linear_init(ks[11], HID, 1),
        "head_2_eq": _linear_init(ks[12], HID, 1),
        "head_3_k": _linear_init(ks[13], HID, 1),
        "head_3_eq": _linear_init(ks[14], HID, 1),
        "head_4_k": _linear_init(ks[15], HID, 1),
        "head_4_eq": _linear_init(ks[16], HID, 1),
    }
    return {"h": h, "idx2": idx2, "idx3": idx3, "idx4": idx4, "params": params}


def _run_seq(layers, x):
    # esp.nn.sequential._Sequential with config [128,'relu',128,'relu',128,'relu']:
    # Linear -> ReLU repeated three times.
    for W, b in layers:
        x = jax.nn.relu(x @ W + b)
    return x


def _level(h, idx, seq, heads):
    # multi_update_all copy_u + mean: each n{k} node receives exactly one n1
    # message per relationship slot, so the mean reduces to a gather h[idx[:, i]].
    k = idx.shape[1]
    cols = [jnp.take(h, idx[:, i], axis=0) for i in range(k)]
    z_fwd = _run_seq(seq, jnp.concatenate(cols, axis=1))
    z_rev = _run_seq(seq, jnp.concatenate(cols[::-1], axis=1))
    z = z_fwd + z_rev  # pool = torch.add (Janossy symmetrization over orderings)
    return tuple(z @ W + b for (W, b) in heads)


def reference(h, idx2, idx3, idx4, params):
    # level-1 (per-atom) readouts
    z1 = _run_seq(params["seq1"], h)
    out1 = tuple(z1 @ W + b for (W, b) in (params["head_1_sigma"], params["head_1_epsilon"], params["head_1_q"]))
    out2 = _level(h, idx2, params["seq2"], (params["head_2_k"], params["head_2_eq"]))
    out3 = _level(h, idx3, params["seq3"], (params["head_3_k"], params["head_3_eq"]))
    out4 = _level(h, idx4, params["seq4"], (params["head_4_k"], params["head_4_eq"]))
    # (sigma, epsilon, q, k2, eq2, k3, eq3, k4, eq4)
    return out1 + out2 + out3 + out4

if __name__ == "__main__":
    import jax
    _d = setup_inputs()
    print(jax.jit(kernel)(*tuple(_d.values())))

</pallas_src>

<mosaic_0001>
#map = affine_map<(d0, d1) -> (0, 0)>
module attributes {stable_mosaic.version = 14 : i64} {
  func.func @body(%arg0: i32, %arg1: i32, %arg2: memref<50000x128xf32, #tpu.memory_space<hbm>>, %arg3: memref<4096x128xi32, #tpu.memory_space<hbm>>, %arg4: memref<524288x128xf32, #tpu.memory_space<hbm>>, %arg5: memref<128x128xi32, #tpu.memory_space<vmem>>, %arg6: memref<4x128x128xf32, #tpu.memory_space<vmem>>, %arg7: memref<4x!tpu.dma_semaphore, #tpu.memory_space<semaphore_mem>>, %arg8: memref<4x!tpu.dma_semaphore, #tpu.memory_space<semaphore_mem>>) attributes {dimension_semantics = [#tpu.dimension_semantics<core_parallel>, #tpu.dimension_semantics<subcore_parallel>], iteration_bounds = array<i64: 2, 16>, scalar_prefetch = 0 : i64, scratch_operands = 4 : i64, tpu.core_type = #tpu.core_type<sc_vector_subcore>, window_params = [{transform_indices = #map}, {transform_indices = #map}, {transform_indices = #map}]} {
    %eq3A = arith.constant 0 : i32
    %eq3A_0 = arith.cmpi eq, %arg0, %eq3A : i32
    %jit3A = arith.constant 128 : i32
    %jit3A_1 = arith.constant 128 : i32
    %select_n3A = arith.select %eq3A_0, %jit3A, %jit3A_1 : i32
    %eq3A_2 = arith.constant 0 : i32
    %eq3A_3 = arith.cmpi eq, %arg0, %eq3A_2 : i32
    %mul3A = arith.constant 128 : i32
    %mul3A_4 = arith.muli %arg1, %mul3A : i32
    %mul3A_5 = arith.constant 128 : i32
    %mul3A_6 = arith.muli %arg1, %mul3A_5 : i32
    %add3A = arith.constant 2048 : i32
    %add3A_7 = arith.addi %add3A, %mul3A_6 : i32
    %select_n3A_8 = arith.select %eq3A_3, %mul3A_4, %add3A_7 : i32
    %multiple_of3A = tpu.assume_multiple %select_n3A_8, 8 : i32
    "tpu.region"() ({
      %run_scoped3A = tpu.sem_alloc : memref<!tpu.dma_semaphore, #tpu.memory_space<semaphore_mem>>
      %dma_start3A_178 = arith.constant 0 : i32
      %dma_start3A_179 = tpu.memref_slice %arg3[%multiple_of3A, %dma_start3A_178] : memref<4096x128xi32, #tpu.memory_space<hbm>> -> memref<128x128xi32, #tpu.memory_space<hbm>>
      %dma_start3A_180 = arith.constant 0 : i32
      %dma_start3A_181 = tpu.memref_slice %arg3[%multiple_of3A, %dma_start3A_180] : memref<4096x128xi32, #tpu.memory_space<hbm>> -> memref<128x128xi32, #tpu.memory_space<hbm>>
      tpu.enqueue_dma source(%dma_start3A_181 : memref<128x128xi32, #tpu.memory_space<hbm>>) target(%arg5 : memref<128x128xi32, #tpu.memory_space<vmem>>) target_semaphore(%run_scoped3A : memref<!tpu.dma_semaphore, #tpu.memory_space<semaphore_mem>>)
      %dma_wait3A_182 = arith.constant 0 : i32
      %dma_wait3A_183 = tpu.memref_slice %arg3[%multiple_of3A, %dma_wait3A_182] : memref<4096x128xi32, #tpu.memory_space<hbm>> -> memref<128x128xi32, #tpu.memory_space<hbm>>
      %dma_wait3A_184 = arith.constant 0 : i32
      %dma_wait3A_185 = tpu.memref_slice %arg3[%multiple_of3A, %dma_wait3A_184] : memref<4096x128xi32, #tpu.memory_space<hbm>> -> memref<128x128xi32, #tpu.memory_space<hbm>>
      tpu.wait_dma2 semaphore(%run_scoped3A : memref<!tpu.dma_semaphore, #tpu.memory_space<semaphore_mem>>) src(%dma_wait3A_185 : memref<128x128xi32, #tpu.memory_space<hbm>>) dst(%arg5 : memref<128x128xi32, #tpu.memory_space<vmem>>)
      tpu.yield
    }) : () -> ()
    %dma_start3A = arith.constant 0 : i32
    %dma_start3A_9 = arith.constant 0 : i32
    %dma_start3A_10 = arith.constant 0 : i32
    %dma_start3A_11 = arith.constant 0 : i32
    %dma_start3A_12 = arith.constant 0 : i32
    %dma_start3A_13 = tpu.memref_slice %arg6[%dma_start3A_9, %dma_start3A_11, %dma_start3A_12] : memref<4x128x128xf32, #tpu.memory_space<vmem>> -> memref<1x128x128xf32, #tpu.memory_space<vmem>>
    %dma_start3A_14 = tpu.memref_squeeze %dma_start3A_13 : memref<1x128x128xf32, #tpu.memory_space<vmem>> -> memref<128x128xf32, #tpu.memory_space<vmem>>
    %dma_start3A_15 = arith.constant 0 : i32
    %dma_start3A_16 = tpu.memref_slice %arg5[%dma_start3A, %dma_start3A_15] : memref<128x128xi32, #tpu.memory_space<vmem>> -> memref<1x128xi32, #tpu.memory_space<vmem>>
    %dma_start3A_17 = tpu.memref_squeeze %dma_start3A_16 : memref<1x128xi32, #tpu.memory_space<vmem>> -> memref<128xi32, #tpu.memory_space<vmem>>
    %dma_start3A_18 = arith.constant 0 : i32
    %dma_start3A_19 = arith.constant 0 : i32
    %dma_start3A_20 = tpu.memref_slice %arg2[%dma_start3A_18, %dma_start3A_19] : memref<50000x128xf32, #tpu.memory_space<hbm>> -> memref<50000x128xf32, #tpu.memory_space<hbm>>
    %dma_start3A_21 = tpu.memref_slice %arg7[%dma_start3A_10] : memref<4x!tpu.dma_semaphore, #tpu.memory_space<semaphore_mem>> -> memref<1x!tpu.dma_semaphore, #tpu.memory_space<semaphore_mem>>
    %dma_start3A_22 = tpu.memref_squeeze %dma_start3A_21 : memref<1x!tpu.dma_semaphore, #tpu.memory_space<semaphore_mem>> -> memref<!tpu.dma_semaphore, #tpu.memory_space<semaphore_mem>>
    tpu.enqueue_indirect_dma source(%dma_start3A_20 : memref<50000x128xf32, #tpu.memory_space<hbm>>) target(%dma_start3A_14 : memref<128x128xf32, #tpu.memory_space<vmem>>) offsets(%dma_start3A_17 : memref<128xi32, #tpu.memory_space<vmem>>) semaphore(%dma_start3A_22 : memref<!tpu.dma_semaphore, #tpu.memory_space<semaphore_mem>>)
    %dma_start3A_23 = arith.constant 1 : i32
    %dma_start3A_24 = arith.constant 1 : i32
    %dma_start3A_25 = arith.constant 1 : i32
    %dma_start3A_26 = arith.constant 0 : i32
    %dma_start3A_27 = arith.constant 0 : i32
    %dma_start3A_28 = tpu.memref_slice %arg6[%dma_start3A_24, %dma_start3A_26, %dma_start3A_27] : memref<4x128x128xf32, #tpu.memory_space<vmem>> -> memref<1x128x128xf32, #tpu.memory_space<vmem>>
    %dma_start3A_29 = tpu.memref_squeeze %dma_start3A_28 : memref<1x128x128xf32, #tpu.memory_space<vmem>> -> memref<128x128xf32, #tpu.memory_space<vmem>>
    %dma_start3A_30 = arith.constant 0 : i32
    %dma_start3A_31 = tpu.memref_slice %arg5[%dma_start3A_23, %dma_start3A_30] : memref<128x128xi32, #tpu.memory_space<vmem>> -> memref<1x128xi32, #tpu.memory_space<vmem>>
    %dma_start3A_32 = tpu.memref_squeeze %dma_start3A_31 : memref<1x128xi32, #tpu.memory_space<vmem>> -> memref<128xi32, #tpu.memory_space<vmem>>
    %dma_start3A_33 = arith.constant 0 : i32
    %dma_start3A_34 = arith.constant 0 : i32
    %dma_start3A_35 = tpu.memref_slice %arg2[%dma_start3A_33, %dma_start3A_34] : memref<50000x128xf32, #tpu.memory_space<hbm>> -> memref<50000x128xf32, #tpu.memory_space<hbm>>
    %dma_start3A_36 = tpu.memref_slice %arg7[%dma_start3A_25] : memref<4x!tpu.dma_semaphore, #tpu.memory_space<semaphore_mem>> -> memref<1x!tpu.dma_semaphore, #tpu.memory_space<semaphore_mem>>
    %dma_start3A_37 = tpu.memref_squeeze %dma_start3A_36 : memref<1x!tpu.dma_semaphore, #tpu.memory_space<semaphore_mem>> -> memref<!tpu.dma_semaphore, #tpu.memory_space<semaphore_mem>>
    tpu.enqueue_indirect_dma source(%dma_start3A_35 : memref<50000x128xf32, #tpu.memory_space<hbm>>) target(%dma_start3A_29 : memref<128x128xf32, #tpu.memory_space<vmem>>) offsets(%dma_start3A_32 : memref<128xi32, #tpu.memory_space<vmem>>) semaphore(%dma_start3A_37 : memref<!tpu.dma_semaphore, #tpu.memory_space<semaphore_mem>>)
    %dma_start3A_38 = arith.constant 2 : i32
    %dma_start3A_39 = arith.constant 2 : i32
    %dma_start3A_40 = arith.constant 2 : i32
    %dma_start3A_41 = arith.constant 0 : i32
    %dma_start3A_42 = arith.constant 0 : i32
    %dma_start3A_43 = tpu.memref_slice %arg6[%dma_start3A_39, %dma_start3A_41, %dma_start3A_42] : memref<4x128x128xf32, #tpu.memory_space<vmem>> -> memref<1x128x128xf32, #tpu.memory_space<vmem>>
    %dma_start3A_44 = tpu.memref_squeeze %dma_start3A_43 : memref<1x128x128xf32, #tpu.memory_space<vmem>> -> memref<128x128xf32, #tpu.memory_space<vmem>>
    %dma_start3A_45 = arith.constant 0 : i32
    %dma_start3A_46 = tpu.memref_slice %arg5[%dma_start3A_38, %dma_start3A_45] : memref<128x128xi32, #tpu.memory_space<vmem>> -> memref<1x128xi32, #tpu.memory_space<vmem>>
    %dma_start3A_47 = tpu.memref_squeeze %dma_start3A_46 : memref<1x128xi32, #tpu.memory_space<vmem>> -> memref<128xi32, #tpu.memory_space<vmem>>
    %dma_start3A_48 = arith.constant 0 : i32
    %dma_start3A_49 = arith.constant 0 : i32
    %dma_start3A_50 = tpu.memref_slice %arg2[%dma_start3A_48, %dma_start3A_49] : memref<50000x128xf32, #tpu.memory_space<hbm>> -> memref<50000x128xf32, #tpu.memory_space<hbm>>
    %dma_start3A_51 = tpu.memref_slice %arg7[%dma_start3A_40] : memref<4x!tpu.dma_semaphore, #tpu.memory_space<semaphore_mem>> -> memref<1x!tpu.dma_semaphore, #tpu.memory_space<semaphore_mem>>
    %dma_start3A_52 = tpu.memref_squeeze %dma_start3A_51 : memref<1x!tpu.dma_semaphore, #tpu.memory_space<semaphore_mem>> -> memref<!tpu.dma_semaphore, #tpu.memory_space<semaphore_mem>>
    tpu.enqueue_indirect_dma source(%dma_start3A_50 : memref<50000x128xf32, #tpu.memory_space<hbm>>) target(%dma_start3A_44 : memref<128x128xf32, #tpu.memory_space<vmem>>) offsets(%dma_start3A_47 : memref<128xi32, #tpu.memory_space<vmem>>) semaphore(%dma_start3A_52 : memref<!tpu.dma_semaphore, #tpu.memory_space<semaphore_mem>>)
    %dma_start3A_53 = arith.constant 3 : i32
    %dma_start3A_54 = arith.constant 3 : i32
    %dma_start3A_55 = arith.constant 3 : i32
    %dma_start3A_56 = arith.constant 0 : i32
    %dma_start3A_57 = arith.constant 0 : i32
    %dma_start3A_58 = tpu.memref_slice %arg6[%dma_start3A_54, %dma_start3A_56, %dma_start3A_57] : memref<4x128x128xf32, #tpu.memory_space<vmem>> -> memref<1x128x128xf32, #tpu.memory_space<vmem>>
    %dma_start3A_59 = tpu.memref_squeeze %dma_start3A_58 : memref<1x128x128xf32, #tpu.memory_space<vmem>> -> memref<128x128xf32, #tpu.memory_space<vmem>>
    %dma_start3A_60 = arith.constant 0 : i32
    %dma_start3A_61 = tpu.memref_slice %arg5[%dma_start3A_53, %dma_start3A_60] : memref<128x128xi32, #tpu.memory_space<vmem>> -> memref<1x128xi32, #tpu.memory_space<vmem>>
    %dma_start3A_62 = tpu.memref_squeeze %dma_start3A_61 : memref<1x128xi32, #tpu.memory_space<vmem>> -> memref<128xi32, #tpu.memory_space<vmem>>
    %dma_start3A_63 = arith.constant 0 : i32
    %dma_start3A_64 = arith.constant 0 : i32
    %dma_start3A_65 = tpu.memref_slice %arg2[%dma_start3A_63, %dma_start3A_64] : memref<50000x128xf32, #tpu.memory_space<hbm>> -> memref<50000x128xf32, #tpu.memory_space<hbm>>
    %dma_start3A_66 = tpu.memref_slice %arg7[%dma_start3A_55] : memref<4x!tpu.dma_semaphore, #tpu.memory_space<semaphore_mem>> -> memref<1x!tpu.dma_semaphore, #tpu.memory_space<semaphore_mem>>
    %dma_start3A_67 = tpu.memref_squeeze %dma_start3A_66 : memref<1x!tpu.dma_semaphore, #tpu.memory_space<semaphore_mem>> -> memref<!tpu.dma_semaphore, #tpu.memory_space<semaphore_mem>>
    tpu.enqueue_indirect_dma source(%dma_start3A_65 : memref<50000x128xf32, #tpu.memory_space<hbm>>) target(%dma_start3A_59 : memref<128x128xf32, #tpu.memory_space<vmem>>) offsets(%dma_start3A_62 : memref<128xi32, #tpu.memory_space<vmem>>) semaphore(%dma_start3A_67 : memref<!tpu.dma_semaphore, #tpu.memory_space<semaphore_mem>>)
    %jit3A_68 = arith.constant 4 : i32
    %div3A = arith.divsi %select_n3A, %jit3A_68 : i32
    %sign3A = arith.constant 0 : i32
    %sign3A_69 = arith.cmpi sgt, %select_n3A, %sign3A : i32
    %sign3A_70 = arith.extui %sign3A_69 : i1 to i32
    %sign3A_71 = arith.constant 0 : i32
    %sign3A_72 = arith.cmpi slt, %select_n3A, %sign3A_71 : i32
    %sign3A_73 = arith.extui %sign3A_72 : i1 to i32
    %sign3A_74 = arith.subi %sign3A_70, %sign3A_73 : i32
    %sign3A_75 = arith.constant 0 : i32
    %sign3A_76 = arith.cmpi sgt, %jit3A_68, %sign3A_75 : i32
    %sign3A_77 = arith.extui %sign3A_76 : i1 to i32
    %sign3A_78 = arith.constant 0 : i32
    %sign3A_79 = arith.cmpi slt, %jit3A_68, %sign3A_78 : i32
    %sign3A_80 = arith.extui %sign3A_79 : i1 to i32
    %sign3A_81 = arith.subi %sign3A_77, %sign3A_80 : i32
    %ne3A = arith.cmpi ne, %sign3A_74, %sign3A_81 : i32
    %rem3A = arith.remsi %select_n3A, %jit3A_68 : i32
    %ne3A_82 = arith.constant 0 : i32
    %ne3A_83 = arith.cmpi ne, %rem3A, %ne3A_82 : i32
    %and3A = arith.andi %ne3A, %ne3A_83 : i1
    %sub3A = arith.constant 1 : i32
    %sub3A_84 = arith.subi %div3A, %sub3A : i32
    %select_n3A_85 = arith.select %and3A, %sub3A_84, %div3A : i32
    %while3A = arith.constant 0 : i32
    %while3A_86 = arith.constant 0 : i32
    %while3A_87 = arith.subi %select_n3A_85, %while3A_86 : i32
    %while3A_88 = arith.addi %while3A_86, %while3A_87 : i32
    %while3A_89 = arith.constant 1 : i32
    %while3A_90 = arith.divsi %while3A_87, %while3A_89 : i32
    %while3A_91 = arith.muli %while3A_90, %while3A_89 : i32
    %while3A_92 = arith.addi %while3A_86, %while3A_91 : i32
    %while3A_93 = arith.constant 1 : i32
    scf.for %while3A_178 = %while3A_86 to %while3A_92 step %while3A_93  : i32 {
      %mul3A_179 = arith.constant 4 : i32
      %mul3A_180 = arith.muli %mul3A_179, %while3A_178 : i32
      %add3A_181 = arith.constant 0 : i32
      %add3A_182 = arith.addi %mul3A_180, %add3A_181 : i32
      %dma_wait3A_183 = arith.constant 0 : i32
      %dma_wait3A_184 = arith.constant 0 : i32
      %dma_wait3A_185 = arith.constant 0 : i32
      %dma_wait3A_186 = arith.constant 0 : i32
      %dma_wait3A_187 = tpu.memref_slice %arg6[%dma_wait3A_183, %dma_wait3A_185, %dma_wait3A_186] : memref<4x128x128xf32, #tpu.memory_space<vmem>> -> memref<1x128x128xf32, #tpu.memory_space<vmem>>
      %dma_wait3A_188 = tpu.memref_squeeze %dma_wait3A_187 : memref<1x128x128xf32, #tpu.memory_space<vmem>> -> memref<128x128xf32, #tpu.memory_space<vmem>>
      %dma_wait3A_189 = arith.constant 0 : i32
      %dma_wait3A_190 = tpu.memref_slice %arg5[%add3A_182, %dma_wait3A_189] : memref<128x128xi32, #tpu.memory_space<vmem>> -> memref<1x128xi32, #tpu.memory_space<vmem>>
      %dma_wait3A_191 = tpu.memref_squeeze %dma_wait3A_190 : memref<1x128xi32, #tpu.memory_space<vmem>> -> memref<128xi32, #tpu.memory_space<vmem>>
      %dma_wait3A_192 = arith.constant 0 : i32
      %dma_wait3A_193 = arith.constant 0 : i32
      %dma_wait3A_194 = tpu.memref_slice %arg2[%dma_wait3A_192, %dma_wait3A_193] : memref<50000x128xf32, #tpu.memory_space<hbm>> -> memref<50000x128xf32, #tpu.memory_space<hbm>>
      %dma_wait3A_195 = tpu.memref_slice %arg7[%dma_wait3A_184] : memref<4x!tpu.dma_semaphore, #tpu.memory_space<semaphore_mem>> -> memref<1x!tpu.dma_semaphore, #tpu.memory_space<semaphore_mem>>
      %dma_wait3A_196 = tpu.memref_squeeze %dma_wait3A_195 : memref<1x!tpu.dma_semaphore, #tpu.memory_space<semaphore_mem>> -> memref<!tpu.dma_semaphore, #tpu.memory_space<semaphore_mem>>
      tpu.wait_indirect_dma semaphore(%dma_wait3A_196 : memref<!tpu.dma_semaphore, #tpu.memory_space<semaphore_mem>>) src(%dma_wait3A_194 : memref<50000x128xf32, #tpu.memory_space<hbm>>) dst(%dma_wait3A_188 : memref<128x128xf32, #tpu.memory_space<vmem>>)
      %add3A_197 = arith.addi %multiple_of3A, %add3A_182 : i32
      %mul3A_198 = arith.constant 128 : i32
      %mul3A_199 = arith.muli %add3A_197, %mul3A_198 : i32
      %multiple_of3A_200 = tpu.assume_multiple %mul3A_199, 128 : i32
      %dma_start3A_201 = arith.constant 0 : i32
      %dma_start3A_202 = arith.constant 0 : i32
      %dma_start3A_203 = arith.constant 0 : i32
      %dma_start3A_204 = arith.constant 0 : i32
      %dma_start3A_205 = tpu.memref_slice %arg6[%dma_start3A_201, %dma_start3A_203, %dma_start3A_204] : memref<4x128x128xf32, #tpu.memory_space<vmem>> -> memref<1x128x128xf32, #tpu.memory_space<vmem>>
      %dma_start3A_206 = tpu.memref_squeeze %dma_start3A_205 : memref<1x128x128xf32, #tpu.memory_space<vmem>> -> memref<128x128xf32, #tpu.memory_space<vmem>>
      %dma_start3A_207 = arith.constant 0 : i32
      %dma_start3A_208 = tpu.memref_slice %arg4[%multiple_of3A_200, %dma_start3A_207] : memref<524288x128xf32, #tpu.memory_space<hbm>> -> memref<128x128xf32, #tpu.memory_space<hbm>>
      %dma_start3A_209 = tpu.memref_slice %arg8[%dma_start3A_202] : memref<4x!tpu.dma_semaphore, #tpu.memory_space<semaphore_mem>> -> memref<1x!tpu.dma_semaphore, #tpu.memory_space<semaphore_mem>>
      %dma_start3A_210 = tpu.memref_squeeze %dma_start3A_209 : memref<1x!tpu.dma_semaphore, #tpu.memory_space<semaphore_mem>> -> memref<!tpu.dma_semaphore, #tpu.memory_space<semaphore_mem>>
      %dma_start3A_211 = arith.constant 0 : i32
      %dma_start3A_212 = tpu.memref_slice %arg4[%multiple_of3A_200, %dma_start3A_211] : memref<524288x128xf32, #tpu.memory_space<hbm>> -> memref<128x128xf32, #tpu.memory_space<hbm>>
      %dma_start3A_213 = arith.constant 0 : i32
      %dma_start3A_214 = arith.constant 0 : i32
      %dma_start3A_215 = tpu.memref_slice %arg6[%dma_start3A_201, %dma_start3A_213, %dma_start3A_214] : memref<4x128x128xf32, #tpu.memory_space<vmem>> -> memref<1x128x128xf32, #tpu.memory_space<vmem>>
      %dma_start3A_216 = tpu.memref_squeeze %dma_start3A_215 : memref<1x128x128xf32, #tpu.memory_space<vmem>> -> memref<128x128xf32, #tpu.memory_space<vmem>>
      tpu.enqueue_dma source(%dma_start3A_216 : memref<128x128xf32, #tpu.memory_space<vmem>>) target(%dma_start3A_212 : memref<128x128xf32, #tpu.memory_space<hbm>>) target_semaphore(%dma_start3A_210 : memref<!tpu.dma_semaphore, #tpu.memory_space<semaphore_mem>>)
      %mul3A_217 = arith.constant 4 : i32
      %mul3A_218 = arith.muli %mul3A_217, %while3A_178 : i32
      %add3A_219 = arith.constant 1 : i32
      %add3A_220 = arith.addi %mul3A_218, %add3A_219 : i32
      %dma_wait3A_221 = arith.constant 1 : i32
      %dma_wait3A_222 = arith.constant 1 : i32
      %dma_wait3A_223 = arith.constant 0 : i32
      %dma_wait3A_224 = arith.constant 0 : i32
      %dma_wait3A_225 = tpu.memref_slice %arg6[%dma_wait3A_221, %dma_wait3A_223, %dma_wait3A_224] : memref<4x128x128xf32, #tpu.memory_space<vmem>> -> memref<1x128x128xf32, #tpu.memory_space<vmem>>
      %dma_wait3A_226 = tpu.memref_squeeze %dma_wait3A_225 : memref<1x128x128xf32, #tpu.memory_space<vmem>> -> memref<128x128xf32, #tpu.memory_space<vmem>>
      %dma_wait3A_227 = arith.constant 0 : i32
      %dma_wait3A_228 = tpu.memref_slice %arg5[%add3A_220, %dma_wait3A_227] : memref<128x128xi32, #tpu.memory_space<vmem>> -> memref<1x128xi32, #tpu.memory_space<vmem>>
      %dma_wait3A_229 = tpu.memref_squeeze %dma_wait3A_228 : memref<1x128xi32, #tpu.memory_space<vmem>> -> memref<128xi32, #tpu.memory_space<vmem>>
      %dma_wait3A_230 = arith.constant 0 : i32
      %dma_wait3A_231 = arith.constant 0 : i32
      %dma_wait3A_232 = tpu.memref_slice %arg2[%dma_wait3A_230, %dma_wait3A_231] : memref<50000x128xf32, #tpu.memory_space<hbm>> -> memref<50000x128xf32, #tpu.memory_space<hbm>>
      %dma_wait3A_233 = tpu.memref_slice %arg7[%dma_wait3A_222] : memref<4x!tpu.dma_semaphore, #tpu.memory_space<semaphore_mem>> -> memref<1x!tpu.dma_semaphore, #tpu.memory_space<semaphore_mem>>
      %dma_wait3A_234 = tpu.memref_squeeze %dma_wait3A_233 : memref<1x!tpu.dma_semaphore, #tpu.memory_space<semaphore_mem>> -> memref<!tpu.dma_semaphore, #tpu.memory_space<semaphore_mem>>
      tpu.wait_indirect_dma semaphore(%dma_wait3A_234 : memref<!tpu.dma_semaphore, #tpu.memory_space<semaphore_mem>>) src(%dma_wait3A_232 : memref<50000x128xf32, #tpu.memory_space<hbm>>) dst(%dma_wait3A_226 : memref<128x128xf32, #tpu.memory_space<vmem>>)
      %add3A_235 = arith.addi %multiple_of3A, %add3A_220 : i32
      %mul3A_236 = arith.constant 128 : i32
      %mul3A_237 = arith.muli %add3A_235, %mul3A_236 : i32
      %multiple_of3A_238 = tpu.assume_multiple %mul3A_237, 128 : i32
      %dma_start3A_239 = arith.constant 1 : i32
      %dma_start3A_240 = arith.constant 1 : i32
      %dma_start3A_241 = arith.constant 0 : i32
      %dma_start3A_242 = arith.constant 0 : i32
      %dma_start3A_243 = tpu.memref_slice %arg6[%dma_start3A_239, %dma_start3A_241, %dma_start3A_242] : memref<4x128x128xf32, #tpu.memory_space<vmem>> -> memref<1x128x128xf32, #tpu.memory_space<vmem>>
      %dma_start3A_244 = tpu.memref_squeeze %dma_start3A_243 : memref<1x128x128xf32, #tpu.memory_space<vmem>> -> memref<128x128xf32, #tpu.memory_space<vmem>>
      %dma_start3A_245 = arith.constant 0 : i32
      %dma_start3A_246 = tpu.memref_slice %arg4[%multiple_of3A_238, %dma_start3A_245] : memref<524288x128xf32, #tpu.memory_space<hbm>> -> memref<128x128xf32, #tpu.memory_space<hbm>>
      %dma_start3A_247 = tpu.memref_slice %arg8[%dma_start3A_240] : memref<4x!tpu.dma_semaphore, #tpu.memory_space<semaphore_mem>> -> memref<1x!tpu.dma_semaphore, #tpu.memory_space<semaphore_mem>>
      %dma_start3A_248 = tpu.memref_squeeze %dma_start3A_247 : memref<1x!tpu.dma_semaphore, #tpu.memory_space<semaphore_mem>> -> memref<!tpu.dma_semaphore, #tpu.memory_space<semaphore_mem>>
      %dma_start3A_249 = arith.constant 0 : i32
      %dma_start3A_250 = tpu.memref_slice %arg4[%multiple_of3A_238, %dma_start3A_249] : memref<524288x128xf32, #tpu.memory_space<hbm>> -> memref<128x128xf32, #tpu.memory_space<hbm>>
      %dma_start3A_251 = arith.constant 0 : i32
      %dma_start3A_252 = arith.constant 0 : i32
      %dma_start3A_253 = tpu.memref_slice %arg6[%dma_start3A_239, %dma_start3A_251, %dma_start3A_252] : memref<4x128x128xf32, #tpu.memory_space<vmem>> -> memref<1x128x128xf32, #tpu.memory_space<vmem>>
      %dma_start3A_254 = tpu.memref_squeeze %dma_start3A_253 : memref<1x128x128xf32, #tpu.memory_space<vmem>> -> memref<128x128xf32, #tpu.memory_space<vmem>>
      tpu.enqueue_dma source(%dma_start3A_254 : memref<128x128xf32, #tpu.memory_space<vmem>>) target(%dma_start3A_250 : memref<128x128xf32, #tpu.memory_space<hbm>>) target_semaphore(%dma_start3A_248 : memref<!tpu.dma_semaphore, #tpu.memory_space<semaphore_mem>>)
      %mul3A_255 = arith.constant 4 : i32
      %mul3A_256 = arith.muli %mul3A_255, %while3A_178 : i32
      %add3A_257 = arith.constant 2 : i32
      %add3A_258 = arith.addi %mul3A_256, %add3A_257 : i32
      %dma_wait3A_259 = arith.constant 2 : i32
      %dma_wait3A_260 = arith.constant 2 : i32
      %dma_wait3A_261 = arith.constant 0 : i32
      %dma_wait3A_262 = arith.constant 0 : i32
      %dma_wait3A_263 = tpu.memref_slice %arg6[%dma_wait3A_259, %dma_wait3A_261, %dma_wait3A_262] : memref<4x128x128xf32, #tpu.memory_space<vmem>> -> memref<1x128x128xf32, #tpu.memory_space<vmem>>
      %dma_wait3A_264 = tpu.memref_squeeze %dma_wait3A_263 : memref<1x128x128xf32, #tpu.memory_space<vmem>> -> memref<128x128xf32, #tpu.memory_space<vmem>>
      %dma_wait3A_265 = arith.constant 0 : i32
      %dma_wait3A_266 = tpu.memref_slice %arg5[%add3A_258, %dma_wait3A_265] : memref<128x128xi32, #tpu.memory_space<vmem>> -> memref<1x128xi32, #tpu.memory_space<vmem>>
      %dma_wait3A_267 = tpu.memref_squeeze %dma_wait3A_266 : memref<1x128xi32, #tpu.memory_space<vmem>> -> memref<128xi32, #tpu.memory_space<vmem>>
      %dma_wait3A_268 = arith.constant 0 : i32
      %dma_wait3A_269 = arith.constant 0 : i32
      %dma_wait3A_270 = tpu.memref_slice %arg2[%dma_wait3A_268, %dma_wait3A_269] : memref<50000x128xf32, #tpu.memory_space<hbm>> -> memref<50000x128xf32, #tpu.memory_space<hbm>>
      %dma_wait3A_271 = tpu.memref_slice %arg7[%dma_wait3A_260] : memref<4x!tpu.dma_semaphore, #tpu.memory_space<semaphore_mem>> -> memref<1x!tpu.dma_semaphore, #tpu.memory_space<semaphore_mem>>
      %dma_wait3A_272 = tpu.memref_squeeze %dma_wait3A_271 : memref<1x!tpu.dma_semaphore, #tpu.memory_space<semaphore_mem>> -> memref<!tpu.dma_semaphore, #tpu.memory_space<semaphore_mem>>
      tpu.wait_indirect_dma semaphore(%dma_wait3A_272 : memref<!tpu.dma_semaphore, #tpu.memory_space<semaphore_mem>>) src(%dma_wait3A_270 : memref<50000x128xf32, #tpu.memory_space<hbm>>) dst(%dma_wait3A_264 : memref<128x128xf32, #tpu.memory_space<vmem>>)
      %add3A_273 = arith.addi %multiple_of3A, %add3A_258 : i32
      %mul3A_274 = arith.constant 128 : i32
      %mul3A_275 = arith.muli %add3A_273, %mul3A_274 : i32
      %multiple_of3A_276 = tpu.assume_multiple %mul3A_275, 128 : i32
      %dma_start3A_277 = arith.constant 2 : i32
      %dma_start3A_278 = arith.constant 2 : i32
      %dma_start3A_279 = arith.constant 0 : i32
      %dma_start3A_280 = arith.constant 0 : i32
      %dma_start3A_281 = tpu.memref_slice %arg6[%dma_start3A_277, %dma_start3A_279, %dma_start3A_280] : memref<4x128x128xf32, #tpu.memory_space<vmem>> -> memref<1x128x128xf32, #tpu.memory_space<vmem>>
      %dma_start3A_282 = tpu.memref_squeeze %dma_start3A_281 : memref<1x128x128xf32, #tpu.memory_space<vmem>> -> memref<128x128xf32, #tpu.memory_space<vmem>>
      %dma_start3A_283 = arith.constant 0 : i32
      %dma_start3A_284 = tpu.memref_slice %arg4[%multiple_of3A_276, %dma_start3A_283] : memref<524288x128xf32, #tpu.memory_space<hbm>> -> memref<128x128xf32, #tpu.memory_space<hbm>>
      %dma_start3A_285 = tpu.memref_slice %arg8[%dma_start3A_278] : memref<4x!tpu.dma_semaphore, #tpu.memory_space<semaphore_mem>> -> memref<1x!tpu.dma_semaphore, #tpu.memory_space<semaphore_mem>>
      %dma_start3A_286 = tpu.memref_squeeze %dma_start3A_285 : memref<1x!tpu.dma_semaphore, #tpu.memory_space<semaphore_mem>> -> memref<!tpu.dma_semaphore, #tpu.memory_space<semaphore_mem>>
      %dma_start3A_287 = arith.constant 0 : i32
      %dma_start3A_288 = tpu.memref_slice %arg4[%multiple_of3A_276, %dma_start3A_287] : memref<524288x128xf32, #tpu.memory_space<hbm>> -> memref<128x128xf32, #tpu.memory_space<hbm>>
      %dma_start3A_289 = arith.constant 0 : i32
      %dma_start3A_290 = arith.constant 0 : i32
      %dma_start3A_291 = tpu.memref_slice %arg6[%dma_start3A_277, %dma_start3A_289, %dma_start3A_290] : memref<4x128x128xf32, #tpu.memory_space<vmem>> -> memref<1x128x128xf32, #tpu.memory_space<vmem>>
      %dma_start3A_292 = tpu.memref_squeeze %dma_start3A_291 : memref<1x128x128xf32, #tpu.memory_space<vmem>> -> memref<128x128xf32, #tpu.memory_space<vmem>>
      tpu.enqueue_dma source(%dma_start3A_292 : memref<128x128xf32, #tpu.memory_space<vmem>>) target(%dma_start3A_288 : memref<128x128xf32, #tpu.memory_space<hbm>>) target_semaphore(%dma_start3A_286 : memref<!tpu.dma_semaphore, #tpu.memory_space<semaphore_mem>>)
      %mul3A_293 = arith.constant 4 : i32
      %mul3A_294 = arith.muli %mul3A_293, %while3A_178 : i32
      %add3A_295 = arith.constant 3 : i32
      %add3A_296 = arith.addi %mul3A_294, %add3A_295 : i32
      %dma_wait3A_297 = arith.constant 3 : i32
      %dma_wait3A_298 = arith.constant 3 : i32
      %dma_wait3A_299 = arith.constant 0 : i32
      %dma_wait3A_300 = arith.constant 0 : i32
      %dma_wait3A_301 = tpu.memref_slice %arg6[%dma_wait3A_297, %dma_wait3A_299, %dma_wait3A_300] : memref<4x128x128xf32, #tpu.memory_space<vmem>> -> memref<1x128x128xf32, #tpu.memory_space<vmem>>
      %dma_wait3A_302 = tpu.memref_squeeze %dma_wait3A_301 : memref<1x128x128xf32, #tpu.memory_space<vmem>> -> memref<128x128xf32, #tpu.memory_space<vmem>>
      %dma_wait3A_303 = arith.constant 0 : i32
      %dma_wait3A_304 = tpu.memref_slice %arg5[%add3A_296, %dma_wait3A_303] : memref<128x128xi32, #tpu.memory_space<vmem>> -> memref<1x128xi32, #tpu.memory_space<vmem>>
      %dma_wait3A_305 = tpu.memref_squeeze %dma_wait3A_304 : memref<1x128xi32, #tpu.memory_space<vmem>> -> memref<128xi32, #tpu.memory_space<vmem>>
      %dma_wait3A_306 = arith.constant 0 : i32
      %dma_wait3A_307 = arith.constant 0 : i32
      %dma_wait3A_308 = tpu.memref_slice %arg2[%dma_wait3A_306, %dma_wait3A_307] : memref<50000x128xf32, #tpu.memory_space<hbm>> -> memref<50000x128xf32, #tpu.memory_space<hbm>>
      %dma_wait3A_309 = tpu.memref_slice %arg7[%dma_wait3A_298] : memref<4x!tpu.dma_semaphore, #tpu.memory_space<semaphore_mem>> -> memref<1x!tpu.dma_semaphore, #tpu.memory_space<semaphore_mem>>
      %dma_wait3A_310 = tpu.memref_squeeze %dma_wait3A_309 : memref<1x!tpu.dma_semaphore, #tpu.memory_space<semaphore_mem>> -> memref<!tpu.dma_semaphore, #tpu.memory_space<semaphore_mem>>
      tpu.wait_indirect_dma semaphore(%dma_wait3A_310 : memref<!tpu.dma_semaphore, #tpu.memory_space<semaphore_mem>>) src(%dma_wait3A_308 : memref<50000x128xf32, #tpu.memory_space<hbm>>) dst(%dma_wait3A_302 : memref<128x128xf32, #tpu.memory_space<vmem>>)
      %add3A_311 = arith.addi %multiple_of3A, %add3A_296 : i32
      %mul3A_312 = arith.constant 128 : i32
      %mul3A_313 = arith.muli %add3A_311, %mul3A_312 : i32
      %multiple_of3A_314 = tpu.assume_multiple %mul3A_313, 128 : i32
      %dma_start3A_315 = arith.constant 3 : i32
      %dma_start3A_316 = arith.constant 3 : i32
      %dma_start3A_317 = arith.constant 0 : i32
      %dma_start3A_318 = arith.constant 0 : i32
      %dma_start3A_319 = tpu.memref_slice %arg6[%dma_start3A_315, %dma_start3A_317, %dma_start3A_318] : memref<4x128x128xf32, #tpu.memory_space<vmem>> -> memref<1x128x128xf32, #tpu.memory_space<vmem>>
      %dma_start3A_320 = tpu.memref_squeeze %dma_start3A_319 : memref<1x128x128xf32, #tpu.memory_space<vmem>> -> memref<128x128xf32, #tpu.memory_space<vmem>>
      %dma_start3A_321 = arith.constant 0 : i32
      %dma_start3A_322 = tpu.memref_slice %arg4[%multiple_of3A_314, %dma_start3A_321] : memref<524288x128xf32, #tpu.memory_space<hbm>> -> memref<128x128xf32, #tpu.memory_space<hbm>>
      %dma_start3A_323 = tpu.memref_slice %arg8[%dma_start3A_316] : memref<4x!tpu.dma_semaphore, #tpu.memory_space<semaphore_mem>> -> memref<1x!tpu.dma_semaphore, #tpu.memory_space<semaphore_mem>>
      %dma_start3A_324 = tpu.memref_squeeze %dma_start3A_323 : memref<1x!tpu.dma_semaphore, #tpu.memory_space<semaphore_mem>> -> memref<!tpu.dma_semaphore, #tpu.memory_space<semaphore_mem>>
      %dma_start3A_325 = arith.constant 0 : i32
      %dma_start3A_326 = tpu.memref_slice %arg4[%multiple_of3A_314, %dma_start3A_325] : memref<524288x128xf32, #tpu.memory_space<hbm>> -> memref<128x128xf32, #tpu.memory_space<hbm>>
      %dma_start3A_327 = arith.constant 0 : i32
      %dma_start3A_328 = arith.constant 0 : i32
      %dma_start3A_329 = tpu.memref_slice %arg6[%dma_start3A_315, %dma_start3A_327, %dma_start3A_328] : memref<4x128x128xf32, #tpu.memory_space<vmem>> -> memref<1x128x128xf32, #tpu.memory_space<vmem>>
      %dma_start3A_330 = tpu.memref_squeeze %dma_start3A_329 : memref<1x128x128xf32, #tpu.memory_space<vmem>> -> memref<128x128xf32, #tpu.memory_space<vmem>>
      tpu.enqueue_dma source(%dma_start3A_330 : memref<128x128xf32, #tpu.memory_space<vmem>>) target(%dma_start3A_326 : memref<128x128xf32, #tpu.memory_space<hbm>>) target_semaphore(%dma_start3A_324 : memref<!tpu.dma_semaphore, #tpu.memory_space<semaphore_mem>>)
      %add3A_331 = arith.constant 1 : i32
      %add3A_332 = arith.addi %while3A_178, %add3A_331 : i32
      %mul3A_333 = arith.constant 4 : i32
      %mul3A_334 = arith.muli %mul3A_333, %add3A_332 : i32
      %add3A_335 = arith.constant 0 : i32
      %add3A_336 = arith.addi %mul3A_334, %add3A_335 : i32
      %lt3A = arith.cmpi slt, %add3A_336, %select_n3A : i32
      %convert_element_type3A = arith.extui %lt3A : i1 to i32
      %cond3A = arith.constant 0 : i32
      %cond3A_337 = arith.cmpi ne, %convert_element_type3A, %cond3A : i32
      scf.if %cond3A_337 {
        %sub3A_368 = arith.constant 4 : i32
        %sub3A_369 = arith.subi %add3A_336, %sub3A_368 : i32
        %add3A_370 = arith.addi %multiple_of3A, %sub3A_369 : i32
        %mul3A_371 = arith.constant 128 : i32
        %mul3A_372 = arith.muli %add3A_370, %mul3A_371 : i32
        %multiple_of3A_373 = tpu.assume_multiple %mul3A_372, 128 : i32
        %dma_wait3A_374 = arith.constant 0 : i32
        %dma_wait3A_375 = arith.constant 0 : i32
        %dma_wait3A_376 = arith.constant 0 : i32
        %dma_wait3A_377 = arith.constant 0 : i32
        %dma_wait3A_378 = tpu.memref_slice %arg6[%dma_wait3A_374, %dma_wait3A_376, %dma_wait3A_377] : memref<4x128x128xf32, #tpu.memory_space<vmem>> -> memref<1x128x128xf32, #tpu.memory_space<vmem>>
        %dma_wait3A_379 = tpu.memref_squeeze %dma_wait3A_378 : memref<1x128x128xf32, #tpu.memory_space<vmem>> -> memref<128x128xf32, #tpu.memory_space<vmem>>
        %dma_wait3A_380 = arith.constant 0 : i32
        %dma_wait3A_381 = tpu.memref_slice %arg4[%multiple_of3A_373, %dma_wait3A_380] : memref<524288x128xf32, #tpu.memory_space<hbm>> -> memref<128x128xf32, #tpu.memory_space<hbm>>
        %dma_wait3A_382 = tpu.memref_slice %arg8[%dma_wait3A_375] : memref<4x!tpu.dma_semaphore, #tpu.memory_space<semaphore_mem>> -> memref<1x!tpu.dma_semaphore, #tpu.memory_space<semaphore_mem>>
        %dma_wait3A_383 = tpu.memref_squeeze %dma_wait3A_382 : memref<1x!tpu.dma_semaphore, #tpu.memory_space<semaphore_mem>> -> memref<!tpu.dma_semaphore, #tpu.memory_space<semaphore_mem>>
        %dma_wait3A_384 = arith.constant 0 : i32
        %dma_wait3A_385 = tpu.memref_slice %arg4[%multiple_of3A_373, %dma_wait3A_384] : memref<524288x128xf32, #tpu.memory_space<hbm>> -> memref<128x128xf32, #tpu.memory_space<hbm>>
        %dma_wait3A_386 = arith.constant 0 : i32
        %dma_wait3A_387 = arith.constant 0 : i32
        %dma_wait3A_388 = tpu.memref_slice %arg6[%dma_wait3A_374, %dma_wait3A_386, %dma_wait3A_387] : memref<4x128x128xf32, #tpu.memory_space<vmem>> -> memref<1x128x128xf32, #tpu.memory_space<vmem>>
        %dma_wait3A_389 = tpu.memref_squeeze %dma_wait3A_388 : memref<1x128x128xf32, #tpu.memory_space<vmem>> -> memref<128x128xf32, #tpu.memory_space<vmem>>
        tpu.wait_dma2 semaphore(%dma_wait3A_383 : memref<!tpu.dma_semaphore, #tpu.memory_space<semaphore_mem>>) src(%dma_wait3A_389 : memref<128x128xf32, #tpu.memory_space<vmem>>) dst(%dma_wait3A_385 : memref<128x128xf32, #tpu.memory_space<hbm>>)
        %dma_start3A_390 = arith.constant 0 : i32
        %dma_start3A_391 = arith.constant 0 : i32
        %dma_start3A_392 = arith.constant 0 : i32
        %dma_start3A_393 = arith.constant 0 : i32
        %dma_start3A_394 = tpu.memref_slice %arg6[%dma_start3A_390, %dma_start3A_392, %dma_start3A_393] : memref<4x128x128xf32, #tpu.memory_space<vmem>> -> memref<1x128x128xf32, #tpu.memory_space<vmem>>
        %dma_start3A_395 = tpu.memref_squeeze %dma_start3A_394 : memref<1x128x128xf32, #tpu.memory_space<vmem>> -> memref<128x128xf32, #tpu.memory_space<vmem>>
        %dma_start3A_396 = arith.constant 0 : i32
        %dma_start3A_397 = tpu.memref_slice %arg5[%add3A_336, %dma_start3A_396] : memref<128x128xi32, #tpu.memory_space<vmem>> -> memref<1x128xi32, #tpu.memory_space<vmem>>
        %dma_start3A_398 = tpu.memref_squeeze %dma_start3A_397 : memref<1x128xi32, #tpu.memory_space<vmem>> -> memref<128xi32, #tpu.memory_space<vmem>>
        %dma_start3A_399 = arith.constant 0 : i32
        %dma_start3A_400 = arith.constant 0 : i32
        %dma_start3A_401 = tpu.memref_slice %arg2[%dma_start3A_399, %dma_start3A_400] : memref<50000x128xf32, #tpu.memory_space<hbm>> -> memref<50000x128xf32, #tpu.memory_space<hbm>>
        %dma_start3A_402 = tpu.memref_slice %arg7[%dma_start3A_391] : memref<4x!tpu.dma_semaphore, #tpu.memory_space<semaphore_mem>> -> memref<1x!tpu.dma_semaphore, #tpu.memory_space<semaphore_mem>>
        %dma_start3A_403 = tpu.memref_squeeze %dma_start3A_402 : memref<1x!tpu.dma_semaphore, #tpu.memory_space<semaphore_mem>> -> memref<!tpu.dma_semaphore, #tpu.memory_space<semaphore_mem>>
        tpu.enqueue_indirect_dma source(%dma_start3A_401 : memref<50000x128xf32, #tpu.memory_space<hbm>>) target(%dma_start3A_395 : memref<128x128xf32, #tpu.memory_space<vmem>>) offsets(%dma_start3A_398 : memref<128xi32, #tpu.memory_space<vmem>>) semaphore(%dma_start3A_403 : memref<!tpu.dma_semaphore, #tpu.memory_space<semaphore_mem>>)
      } else {
      }
      %add3A_338 = arith.constant 1 : i32
      %add3A_339 = arith.addi %while3A_178, %add3A_338 : i32
      %mul3A_340 = arith.constant 4 : i32
      %mul3A_341 = arith.muli %mul3A_340, %add3A_339 : i32
      %add3A_342 = arith.constant 1 : i32
      %add3A_343 = arith.addi %mul3A_341, %add3A_342 : i32
      %lt3A_344 = arith.cmpi slt, %add3A_343, %select_n3A : i32
      %convert_element_type3A_345 = arith.extui %lt3A_344 : i1 to i32
      %cond3A_346 = arith.constant 0 : i32
      %cond3A_347 = arith.cmpi ne, %convert_element_type3A_345, %cond3A_346 : i32
      scf.if %cond3A_347 {
        %sub3A_368 = arith.constant 4 : i32
        %sub3A_369 = arith.subi %add3A_343, %sub3A_368 : i32
        %add3A_370 = arith.addi %multiple_of3A, %sub3A_369 : i32
        %mul3A_371 = arith.constant 128 : i32
        %mul3A_372 = arith.muli %add3A_370, %mul3A_371 : i32
        %multiple_of3A_373 = tpu.assume_multiple %mul3A_372, 128 : i32
        %dma_wait3A_374 = arith.constant 1 : i32
        %dma_wait3A_375 = arith.constant 1 : i32
        %dma_wait3A_376 = arith.constant 0 : i32
        %dma_wait3A_377 = arith.constant 0 : i32
        %dma_wait3A_378 = tpu.memref_slice %arg6[%dma_wait3A_374, %dma_wait3A_376, %dma_wait3A_377] : memref<4x128x128xf32, #tpu.memory_space<vmem>> -> memref<1x128x128xf32, #tpu.memory_space<vmem>>
        %dma_wait3A_379 = tpu.memref_squeeze %dma_wait3A_378 : memref<1x128x128xf32, #tpu.memory_space<vmem>> -> memref<128x128xf32, #tpu.memory_space<vmem>>
        %dma_wait3A_380 = arith.constant 0 : i32
        %dma_wait3A_381 = tpu.memref_slice %arg4[%multiple_of3A_373, %dma_wait3A_380] : memref<524288x128xf32, #tpu.memory_space<hbm>> -> memref<128x128xf32, #tpu.memory_space<hbm>>
        %dma_wait3A_382 = tpu.memref_slice %arg8[%dma_wait3A_375] : memref<4x!tpu.dma_semaphore, #tpu.memory_space<semaphore_mem>> -> memref<1x!tpu.dma_semaphore, #tpu.memory_space<semaphore_mem>>
        %dma_wait3A_383 = tpu.memref_squeeze %dma_wait3A_382 : memref<1x!tpu.dma_semaphore, #tpu.memory_space<semaphore_mem>> -> memref<!tpu.dma_semaphore, #tpu.memory_space<semaphore_mem>>
        %dma_wait3A_384 = arith.constant 0 : i32
        %dma_wait3A_385 = tpu.memref_slice %arg4[%multiple_of3A_373, %dma_wait3A_384] : memref<524288x128xf32, #tpu.memory_space<hbm>> -> memref<128x128xf32, #tpu.memory_space<hbm>>
        %dma_wait3A_386 = arith.constant 0 : i32
        %dma_wait3A_387 = arith.constant 0 : i32
        %dma_wait3A_388 = tpu.memref_slice %arg6[%dma_wait3A_374, %dma_wait3A_386, %dma_wait3A_387] : memref<4x128x128xf32, #tpu.memory_space<vmem>> -> memref<1x128x128xf32, #tpu.memory_space<vmem>>
        %dma_wait3A_389 = tpu.memref_squeeze %dma_wait3A_388 : memref<1x128x128xf32, #tpu.memory_space<vmem>> -> memref<128x128xf32, #tpu.memory_space<vmem>>
        tpu.wait_dma2 semaphore(%dma_wait3A_383 : memref<!tpu.dma_semaphore, #tpu.memory_space<semaphore_mem>>) src(%dma_wait3A_389 : memref<128x128xf32, #tpu.memory_space<vmem>>) dst(%dma_wait3A_385 : memref<128x128xf32, #tpu.memory_space<hbm>>)
        %dma_start3A_390 = arith.constant 1 : i32
        %dma_start3A_391 = arith.constant 1 : i32
        %dma_start3A_392 = arith.constant 0 : i32
        %dma_start3A_393 = arith.constant 0 : i32
        %dma_start3A_394 = tpu.memref_slice %arg6[%dma_start3A_390, %dma_start3A_392, %dma_start3A_393] : memref<4x128x128xf32, #tpu.memory_space<vmem>> -> memref<1x128x128xf32, #tpu.memory_space<vmem>>
        %dma_start3A_395 = tpu.memref_squeeze %dma_start3A_394 : memref<1x128x128xf32, #tpu.memory_space<vmem>> -> memref<128x128xf32, #tpu.memory_space<vmem>>
        %dma_start3A_396 = arith.constant 0 : i32
        %dma_start3A_397 = tpu.memref_slice %arg5[%add3A_343, %dma_start3A_396] : memref<128x128xi32, #tpu.memory_space<vmem>> -> memref<1x128xi32, #tpu.memory_space<vmem>>
        %dma_start3A_398 = tpu.memref_squeeze %dma_start3A_397 : memref<1x128xi32, #tpu.memory_space<vmem>> -> memref<128xi32, #tpu.memory_space<vmem>>
        %dma_start3A_399 = arith.constant 0 : i32
        %dma_start3A_400 = arith.constant 0 : i32
        %dma_start3A_401 = tpu.memref_slice %arg2[%dma_start3A_399, %dma_start3A_400] : memref<50000x128xf32, #tpu.memory_space<hbm>> -> memref<50000x128xf32, #tpu.memory_space<hbm>>
        %dma_start3A_402 = tpu.memref_slice %arg7[%dma_start3A_391] : memref<4x!tpu.dma_semaphore, #tpu.memory_space<semaphore_mem>> -> memref<1x!tpu.dma_semaphore, #tpu.memory_space<semaphore_mem>>
        %dma_start3A_403 = tpu.memref_squeeze %dma_start3A_402 : memref<1x!tpu.dma_semaphore, #tpu.memory_space<semaphore_mem>> -> memref<!tpu.dma_semaphore, #tpu.memory_space<semaphore_mem>>
        tpu.enqueue_indirect_dma source(%dma_start3A_401 : memref<50000x128xf32, #tpu.memory_space<hbm>>) target(%dma_start3A_395 : memref<128x128xf32, #tpu.memory_space<vmem>>) offsets(%dma_start3A_398 : memref<128xi32, #tpu.memory_space<vmem>>) semaphore(%dma_start3A_403 : memref<!tpu.dma_semaphore, #tpu.memory_space<semaphore_mem>>)
      } else {
      }
      %add3A_348 = arith.constant 1 : i32
      %add3A_349 = arith.addi %while3A_178, %add3A_348 : i32
      %mul3A_350 = arith.constant 4 : i32
      %mul3A_351 = arith.muli %mul3A_350, %add3A_349 : i32
      %add3A_352 = arith.constant 2 : i32
      %add3A_353 = arith.addi %mul3A_351, %add3A_352 : i32
      %lt3A_354 = arith.cmpi slt, %add3A_353, %select_n3A : i32
      %convert_element_type3A_355 = arith.extui %lt3A_354 : i1 to i32
      %cond3A_356 = arith.constant 0 : i32
      %cond3A_357 = arith.cmpi ne, %convert_element_type3A_355, %cond3A_356 : i32
      scf.if %cond3A_357 {
        %sub3A_368 = arith.constant 4 : i32
        %sub3A_369 = arith.subi %add3A_353, %sub3A_368 : i32
        %add3A_370 = arith.addi %multiple_of3A, %sub3A_369 : i32
        %mul3A_371 = arith.constant 128 : i32
        %mul3A_372 = arith.muli %add3A_370, %mul3A_371 : i32
        %multiple_of3A_373 = tpu.assume_multiple %mul3A_372, 128 : i32
        %dma_wait3A_374 = arith.constant 2 : i32
        %dma_wait3A_375 = arith.constant 2 : i32
        %dma_wait3A_376 = arith.constant 0 : i32
        %dma_wait3A_377 = arith.constant 0 : i32
        %dma_wait3A_378 = tpu.memref_slice %arg6[%dma_wait3A_374, %dma_wait3A_376, %dma_wait3A_377] : memref<4x128x128xf32, #tpu.memory_space<vmem>> -> memref<1x128x128xf32, #tpu.memory_space<vmem>>
        %dma_wait3A_379 = tpu.memref_squeeze %dma_wait3A_378 : memref<1x128x128xf32, #tpu.memory_space<vmem>> -> memref<128x128xf32, #tpu.memory_space<vmem>>
        %dma_wait3A_380 = arith.constant 0 : i32
        %dma_wait3A_381 = tpu.memref_slice %arg4[%multiple_of3A_373, %dma_wait3A_380] : memref<524288x128xf32, #tpu.memory_space<hbm>> -> memref<128x128xf32, #tpu.memory_space<hbm>>
        %dma_wait3A_382 = tpu.memref_slice %arg8[%dma_wait3A_375] : memref<4x!tpu.dma_semaphore, #tpu.memory_space<semaphore_mem>> -> memref<1x!tpu.dma_semaphore, #tpu.memory_space<semaphore_mem>>
        %dma_wait3A_383 = tpu.memref_squeeze %dma_wait3A_382 : memref<1x!tpu.dma_semaphore, #tpu.memory_space<semaphore_mem>> -> memref<!tpu.dma_semaphore, #tpu.memory_space<semaphore_mem>>
        %dma_wait3A_384 = arith.constant 0 : i32
        %dma_wait3A_385 = tpu.memref_slice %arg4[%multiple_of3A_373, %dma_wait3A_384] : memref<524288x128xf32, #tpu.memory_space<hbm>> -> memref<128x128xf32, #tpu.memory_space<hbm>>
        %dma_wait3A_386 = arith.constant 0 : i32
        %dma_wait3A_387 = arith.constant 0 : i32
        %dma_wait3A_388 = tpu.memref_slice %arg6[%dma_wait3A_374, %dma_wait3A_386, %dma_wait3A_387] : memref<4x128x128xf32, #tpu.memory_space<vmem>> -> memref<1x128x128xf32, #tpu.memory_space<vmem>>
        %dma_wait3A_389 = tpu.memref_squeeze %dma_wait3A_388 : memref<1x128x128xf32, #tpu.memory_space<vmem>> -> memref<128x128xf32, #tpu.memory_space<vmem>>
        tpu.wait_dma2 semaphore(%dma_wait3A_383 : memref<!tpu.dma_semaphore, #tpu.memory_space<semaphore_mem>>) src(%dma_wait3A_389 : memref<128x128xf32, #tpu.memory_space<vmem>>) dst(%dma_wait3A_385 : memref<128x128xf32, #tpu.memory_space<hbm>>)
        %dma_start3A_390 = arith.constant 2 : i32
        %dma_start3A_391 = arith.constant 2 : i32
        %dma_start3A_392 = arith.constant 0 : i32
        %dma_start3A_393 = arith.constant 0 : i32
        %dma_start3A_394 = tpu.memref_slice %arg6[%dma_start3A_390, %dma_start3A_392, %dma_start3A_393] : memref<4x128x128xf32, #tpu.memory_space<vmem>> -> memref<1x128x128xf32, #tpu.memory_space<vmem>>
        %dma_start3A_395 = tpu.memref_squeeze %dma_start3A_394 : memref<1x128x128xf32, #tpu.memory_space<vmem>> -> memref<128x128xf32, #tpu.memory_space<vmem>>
        %dma_start3A_396 = arith.constant 0 : i32
        %dma_start3A_397 = tpu.memref_slice %arg5[%add3A_353, %dma_start3A_396] : memref<128x128xi32, #tpu.memory_space<vmem>> -> memref<1x128xi32, #tpu.memory_space<vmem>>
        %dma_start3A_398 = tpu.memref_squeeze %dma_start3A_397 : memref<1x128xi32, #tpu.memory_space<vmem>> -> memref<128xi32, #tpu.memory_space<vmem>>
        %dma_start3A_399 = arith.constant 0 : i32
        %dma_start3A_400 = arith.constant 0 : i32
        %dma_start3A_401 = tpu.memref_slice %arg2[%dma_start3A_399, %dma_start3A_400] : memref<50000x128xf32, #tpu.memory_space<hbm>> -> memref<50000x128xf32, #tpu.memory_space<hbm>>
        %dma_start3A_402 = tpu.memref_slice %arg7[%dma_start3A_391] : memref<4x!tpu.dma_semaphore, #tpu.memory_space<semaphore_mem>> -> memref<1x!tpu.dma_semaphore, #tpu.memory_space<semaphore_mem>>
        %dma_start3A_403 = tpu.memref_squeeze %dma_start3A_402 : memref<1x!tpu.dma_semaphore, #tpu.memory_space<semaphore_mem>> -> memref<!tpu.dma_semaphore, #tpu.memory_space<semaphore_mem>>
        tpu.enqueue_indirect_dma source(%dma_start3A_401 : memref<50000x128xf32, #tpu.memory_space<hbm>>) target(%dma_start3A_395 : memref<128x128xf32, #tpu.memory_space<vmem>>) offsets(%dma_start3A_398 : memref<128xi32, #tpu.memory_space<vmem>>) semaphore(%dma_start3A_403 : memref<!tpu.dma_semaphore, #tpu.memory_space<semaphore_mem>>)
      } else {
      }
      %add3A_358 = arith.constant 1 : i32
      %add3A_359 = arith.addi %while3A_178, %add3A_358 : i32
      %mul3A_360 = arith.constant 4 : i32
      %mul3A_361 = arith.muli %mul3A_360, %add3A_359 : i32
      %add3A_362 = arith.constant 3 : i32
      %add3A_363 = arith.addi %mul3A_361, %add3A_362 : i32
      %lt3A_364 = arith.cmpi slt, %add3A_363, %select_n3A : i32
      %convert_element_type3A_365 = arith.extui %lt3A_364 : i1 to i32
      %cond3A_366 = arith.constant 0 : i32
      %cond3A_367 = arith.cmpi ne, %convert_element_type3A_365, %cond3A_366 : i32
      scf.if %cond3A_367 {
        %sub3A_368 = arith.constant 4 : i32
        %sub3A_369 = arith.subi %add3A_363, %sub3A_368 : i32
        %add3A_370 = arith.addi %multiple_of3A, %sub3A_369 : i32
        %mul3A_371 = arith.constant 128 : i32
        %mul3A_372 = arith.muli %add3A_370, %mul3A_371 : i32
        %multiple_of3A_373 = tpu.assume_multiple %mul3A_372, 128 : i32
        %dma_wait3A_374 = arith.constant 3 : i32
        %dma_wait3A_375 = arith.constant 3 : i32
        %dma_wait3A_376 = arith.constant 0 : i32
        %dma_wait3A_377 = arith.constant 0 : i32
        %dma_wait3A_378 = tpu.memref_slice %arg6[%dma_wait3A_374, %dma_wait3A_376, %dma_wait3A_377] : memref<4x128x128xf32, #tpu.memory_space<vmem>> -> memref<1x128x128xf32, #tpu.memory_space<vmem>>
        %dma_wait3A_379 = tpu.memref_squeeze %dma_wait3A_378 : memref<1x128x128xf32, #tpu.memory_space<vmem>> -> memref<128x128xf32, #tpu.memory_space<vmem>>
        %dma_wait3A_380 = arith.constant 0 : i32
        %dma_wait3A_381 = tpu.memref_slice %arg4[%multiple_of3A_373, %dma_wait3A_380] : memref<524288x128xf32, #tpu.memory_space<hbm>> -> memref<128x128xf32, #tpu.memory_space<hbm>>
        %dma_wait3A_382 = tpu.memref_slice %arg8[%dma_wait3A_375] : memref<4x!tpu.dma_semaphore, #tpu.memory_space<semaphore_mem>> -> memref<1x!tpu.dma_semaphore, #tpu.memory_space<semaphore_mem>>
        %dma_wait3A_383 = tpu.memref_squeeze %dma_wait3A_382 : memref<1x!tpu.dma_semaphore, #tpu.memory_space<semaphore_mem>> -> memref<!tpu.dma_semaphore, #tpu.memory_space<semaphore_mem>>
        %dma_wait3A_384 = arith.constant 0 : i32
        %dma_wait3A_385 = tpu.memref_slice %arg4[%multiple_of3A_373, %dma_wait3A_384] : memref<524288x128xf32, #tpu.memory_space<hbm>> -> memref<128x128xf32, #tpu.memory_space<hbm>>
        %dma_wait3A_386 = arith.constant 0 : i32
        %dma_wait3A_387 = arith.constant 0 : i32
        %dma_wait3A_388 = tpu.memref_slice %arg6[%dma_wait3A_374, %dma_wait3A_386, %dma_wait3A_387] : memref<4x128x128xf32, #tpu.memory_space<vmem>> -> memref<1x128x128xf32, #tpu.memory_space<vmem>>
        %dma_wait3A_389 = tpu.memref_squeeze %dma_wait3A_388 : memref<1x128x128xf32, #tpu.memory_space<vmem>> -> memref<128x128xf32, #tpu.memory_space<vmem>>
        tpu.wait_dma2 semaphore(%dma_wait3A_383 : memref<!tpu.dma_semaphore, #tpu.memory_space<semaphore_mem>>) src(%dma_wait3A_389 : memref<128x128xf32, #tpu.memory_space<vmem>>) dst(%dma_wait3A_385 : memref<128x128xf32, #tpu.memory_space<hbm>>)
        %dma_start3A_390 = arith.constant 3 : i32
        %dma_start3A_391 = arith.constant 3 : i32
        %dma_start3A_392 = arith.constant 0 : i32
        %dma_start3A_393 = arith.constant 0 : i32
        %dma_start3A_394 = tpu.memref_slice %arg6[%dma_start3A_390, %dma_start3A_392, %dma_start3A_393] : memref<4x128x128xf32, #tpu.memory_space<vmem>> -> memref<1x128x128xf32, #tpu.memory_space<vmem>>
        %dma_start3A_395 = tpu.memref_squeeze %dma_start3A_394 : memref<1x128x128xf32, #tpu.memory_space<vmem>> -> memref<128x128xf32, #tpu.memory_space<vmem>>
        %dma_start3A_396 = arith.constant 0 : i32
        %dma_start3A_397 = tpu.memref_slice %arg5[%add3A_363, %dma_start3A_396] : memref<128x128xi32, #tpu.memory_space<vmem>> -> memref<1x128xi32, #tpu.memory_space<vmem>>
        %dma_start3A_398 = tpu.memref_squeeze %dma_start3A_397 : memref<1x128xi32, #tpu.memory_space<vmem>> -> memref<128xi32, #tpu.memory_space<vmem>>
        %dma_start3A_399 = arith.constant 0 : i32
        %dma_start3A_400 = arith.constant 0 : i32
        %dma_start3A_401 = tpu.memref_slice %arg2[%dma_start3A_399, %dma_start3A_400] : memref<50000x128xf32, #tpu.memory_space<hbm>> -> memref<50000x128xf32, #tpu.memory_space<hbm>>
        %dma_start3A_402 = tpu.memref_slice %arg7[%dma_start3A_391] : memref<4x!tpu.dma_semaphore, #tpu.memory_space<semaphore_mem>> -> memref<1x!tpu.dma_semaphore, #tpu.memory_space<semaphore_mem>>
        %dma_start3A_403 = tpu.memref_squeeze %dma_start3A_402 : memref<1x!tpu.dma_semaphore, #tpu.memory_space<semaphore_mem>> -> memref<!tpu.dma_semaphore, #tpu.memory_space<semaphore_mem>>
        tpu.enqueue_indirect_dma source(%dma_start3A_401 : memref<50000x128xf32, #tpu.memory_space<hbm>>) target(%dma_start3A_395 : memref<128x128xf32, #tpu.memory_space<vmem>>) offsets(%dma_start3A_398 : memref<128xi32, #tpu.memory_space<vmem>>) semaphore(%dma_start3A_403 : memref<!tpu.dma_semaphore, #tpu.memory_space<semaphore_mem>>)
      } else {
      }
    }
    %while3A_94 = arith.constant 1 : i32
    scf.for %while3A_178 = %while3A_92 to %while3A_88 step %while3A_94  : i32 {
      %mul3A_179 = arith.constant 4 : i32
      %mul3A_180 = arith.muli %mul3A_179, %while3A_178 : i32
      %add3A_181 = arith.constant 0 : i32
      %add3A_182 = arith.addi %mul3A_180, %add3A_181 : i32
      %dma_wait3A_183 = arith.constant 0 : i32
      %dma_wait3A_184 = arith.constant 0 : i32
      %dma_wait3A_185 = arith.constant 0 : i32
      %dma_wait3A_186 = arith.constant 0 : i32
      %dma_wait3A_187 = tpu.memref_slice %arg6[%dma_wait3A_183, %dma_wait3A_185, %dma_wait3A_186] : memref<4x128x128xf32, #tpu.memory_space<vmem>> -> memref<1x128x128xf32, #tpu.memory_space<vmem>>
      %dma_wait3A_188 = tpu.memref_squeeze %dma_wait3A_187 : memref<1x128x128xf32, #tpu.memory_space<vmem>> -> memref<128x128xf32, #tpu.memory_space<vmem>>
      %dma_wait3A_189 = arith.constant 0 : i32
      %dma_wait3A_190 = tpu.memref_slice %arg5[%add3A_182, %dma_wait3A_189] : memref<128x128xi32, #tpu.memory_space<vmem>> -> memref<1x128xi32, #tpu.memory_space<vmem>>
      %dma_wait3A_191 = tpu.memref_squeeze %dma_wait3A_190 : memref<1x128xi32, #tpu.memory_space<vmem>> -> memref<128xi32, #tpu.memory_space<vmem>>
      %dma_wait3A_192 = arith.constant 0 : i32
      %dma_wait3A_193 = arith.constant 0 : i32
      %dma_wait3A_194 = tpu.memref_slice %arg2[%dma_wait3A_192, %dma_wait3A_193] : memref<50000x128xf32, #tpu.memory_space<hbm>> -> memref<50000x128xf32, #tpu.memory_space<hbm>>
      %dma_wait3A_195 = tpu.memref_slice %arg7[%dma_wait3A_184] : memref<4x!tpu.dma_semaphore, #tpu.memory_space<semaphore_mem>> -> memref<1x!tpu.dma_semaphore, #tpu.memory_space<semaphore_mem>>
      %dma_wait3A_196 = tpu.memref_squeeze %dma_wait3A_195 : memref<1x!tpu.dma_semaphore, #tpu.memory_space<semaphore_mem>> -> memref<!tpu.dma_semaphore, #tpu.memory_space<semaphore_mem>>
      tpu.wait_indirect_dma semaphore(%dma_wait3A_196 : memref<!tpu.dma_semaphore, #tpu.memory_space<semaphore_mem>>) src(%dma_wait3A_194 : memref<50000x128xf32, #tpu.memory_space<hbm>>) dst(%dma_wait3A_188 : memref<128x128xf32, #tpu.memory_space<vmem>>)
      %add3A_197 = arith.addi %multiple_of3A, %add3A_182 : i32
      %mul3A_198 = arith.constant 128 : i32
      %mul3A_199 = arith.muli %add3A_197, %mul3A_198 : i32
      %multiple_of3A_200 = tpu.assume_multiple %mul3A_199, 128 : i32
      %dma_start3A_201 = arith.constant 0 : i32
      %dma_start3A_202 = arith.constant 0 : i32
      %dma_start3A_203 = arith.constant 0 : i32
      %dma_start3A_204 = arith.constant 0 : i32
      %dma_start3A_205 = tpu.memref_slice %arg6[%dma_start3A_201, %dma_start3A_203, %dma_start3A_204] : memref<4x128x128xf32, #tpu.memory_space<vmem>> -> memref<1x128x128xf32, #tpu.memory_space<vmem>>
      %dma_start3A_206 = tpu.memref_squeeze %dma_start3A_205 : memref<1x128x128xf32, #tpu.memory_space<vmem>> -> memref<128x128xf32, #tpu.memory_space<vmem>>
      %dma_start3A_207 = arith.constant 0 : i32
      %dma_start3A_208 = tpu.memref_slice %arg4[%multiple_of3A_200, %dma_start3A_207] : memref<524288x128xf32, #tpu.memory_space<hbm>> -> memref<128x128xf32, #tpu.memory_space<hbm>>
      %dma_start3A_209 = tpu.memref_slice %arg8[%dma_start3A_202] : memref<4x!tpu.dma_semaphore, #tpu.memory_space<semaphore_mem>> -> memref<1x!tpu.dma_semaphore, #tpu.memory_space<semaphore_mem>>
      %dma_start3A_210 = tpu.memref_squeeze %dma_start3A_209 : memref<1x!tpu.dma_semaphore, #tpu.memory_space<semaphore_mem>> -> memref<!tpu.dma_semaphore, #tpu.memory_space<semaphore_mem>>
      %dma_start3A_211 = arith.constant 0 : i32
      %dma_start3A_212 = tpu.memref_slice %arg4[%multiple_of3A_200, %dma_start3A_211] : memref<524288x128xf32, #tpu.memory_space<hbm>> -> memref<128x128xf32, #tpu.memory_space<hbm>>
      %dma_start3A_213 = arith.constant 0 : i32
      %dma_start3A_214 = arith.constant 0 : i32
      %dma_start3A_215 = tpu.memref_slice %arg6[%dma_start3A_201, %dma_start3A_213, %dma_start3A_214] : memref<4x128x128xf32, #tpu.memory_space<vmem>> -> memref<1x128x128xf32, #tpu.memory_space<vmem>>
      %dma_start3A_216 = tpu.memref_squeeze %dma_start3A_215 : memref<1x128x128xf32, #tpu.memory_space<vmem>> -> memref<128x128xf32, #tpu.memory_space<vmem>>
      tpu.enqueue_dma source(%dma_start3A_216 : memref<128x128xf32, #tpu.memory_space<vmem>>) target(%dma_start3A_212 : memref<128x128xf32, #tpu.memory_space<hbm>>) target_semaphore(%dma_start3A_210 : memref<!tpu.dma_semaphore, #tpu.memory_space<semaphore_mem>>)
      %mul3A_217 = arith.constant 4 : i32
      %mul3A_218 = arith.muli %mul3A_217, %while3A_178 : i32
      %add3A_219 = arith.constant 1 : i32
      %add3A_220 = arith.addi %mul3A_218, %add3A_219 : i32
      %dma_wait3A_221 = arith.constant 1 : i32
      %dma_wait3A_222 = arith.constant 1 : i32
      %dma_wait3A_223 = arith.constant 0 : i32
      %dma_wait3A_224 = arith.constant 0 : i32
      %dma_wait3A_225 = tpu.memref_slice %arg6[%dma_wait3A_221, %dma_wait3A_223, %dma_wait3A_224] : memref<4x128x128xf32, #tpu.memory_space<vmem>> -> memref<1x128x128xf32, #tpu.memory_space<vmem>>
      %dma_wait3A_226 = tpu.memref_squeeze %dma_wait3A_225 : memref<1x128x128xf32, #tpu.memory_space<vmem>> -> memref<128x128xf32, #tpu.memory_space<vmem>>
      %dma_wait3A_227 = arith.constant 0 : i32
      %dma_wait3A_228 = tpu.memref_slice %arg5[%add3A_220, %dma_wait3A_227] : memref<128x128xi32, #tpu.memory_space<vmem>> -> memref<1x128xi32, #tpu.memory_space<vmem>>
      %dma_wait3A_229 = tpu.memref_squeeze %dma_wait3A_228 : memref<1x128xi32, #tpu.memory_space<vmem>> -> memref<128xi32, #tpu.memory_space<vmem>>
      %dma_wait3A_230 = arith.constant 0 : i32
      %dma_wait3A_231 = arith.constant 0 : i32
      %dma_wait3A_232 = tpu.memref_slice %arg2[%dma_wait3A_230, %dma_wait3A_231] : memref<50000x128xf32, #tpu.memory_space<hbm>> -> memref<50000x128xf32, #tpu.memory_space<hbm>>
      %dma_wait3A_233 = tpu.memref_slice %arg7[%dma_wait3A_222] : memref<4x!tpu.dma_semaphore, #tpu.memory_space<semaphore_mem>> -> memref<1x!tpu.dma_semaphore, #tpu.memory_space<semaphore_mem>>
      %dma_wait3A_234 = tpu.memref_squeeze %dma_wait3A_233 : memref<1x!tpu.dma_semaphore, #tpu.memory_space<semaphore_mem>> -> memref<!tpu.dma_semaphore, #tpu.memory_space<semaphore_mem>>
      tpu.wait_indirect_dma semaphore(%dma_wait3A_234 : memref<!tpu.dma_semaphore, #tpu.memory_space<semaphore_mem>>) src(%dma_wait3A_232 : memref<50000x128xf32, #tpu.memory_space<hbm>>) dst(%dma_wait3A_226 : memref<128x128xf32, #tpu.memory_space<vmem>>)
      %add3A_235 = arith.addi %multiple_of3A, %add3A_220 : i32
      %mul3A_236 = arith.constant 128 : i32
      %mul3A_237 = arith.muli %add3A_235, %mul3A_236 : i32
      %multiple_of3A_238 = tpu.assume_multiple %mul3A_237, 128 : i32
      %dma_start3A_239 = arith.constant 1 : i32
      %dma_start3A_240 = arith.constant 1 : i32
      %dma_start3A_241 = arith.constant 0 : i32
      %dma_start3A_242 = arith.constant 0 : i32
      %dma_start3A_243 = tpu.memref_slice %arg6[%dma_start3A_239, %dma_start3A_241, %dma_start3A_242] : memref<4x128x128xf32, #tpu.memory_space<vmem>> -> memref<1x128x128xf32, #tpu.memory_space<vmem>>
      %dma_start3A_244 = tpu.memref_squeeze %dma_start3A_243 : memref<1x128x128xf32, #tpu.memory_space<vmem>> -> memref<128x128xf32, #tpu.memory_space<vmem>>
      %dma_start3A_245 = arith.constant 0 : i32
      %dma_start3A_246 = tpu.memref_slice %arg4[%multiple_of3A_238, %dma_start3A_245] : memref<524288x128xf32, #tpu.memory_space<hbm>> -> memref<128x128xf32, #tpu.memory_space<hbm>>
      %dma_start3A_247 = tpu.memref_slice %arg8[%dma_start3A_240] : memref<4x!tpu.dma_semaphore, #tpu.memory_space<semaphore_mem>> -> memref<1x!tpu.dma_semaphore, #tpu.memory_space<semaphore_mem>>
      %dma_start3A_248 = tpu.memref_squeeze %dma_start3A_247 : memref<1x!tpu.dma_semaphore, #tpu.memory_space<semaphore_mem>> -> memref<!tpu.dma_semaphore, #tpu.memory_space<semaphore_mem>>
      %dma_start3A_249 = arith.constant 0 : i32
      %dma_start3A_250 = tpu.memref_slice %arg4[%multiple_of3A_238, %dma_start3A_249] : memref<524288x128xf32, #tpu.memory_space<hbm>> -> memref<128x128xf32, #tpu.memory_space<hbm>>
      %dma_start3A_251 = arith.constant 0 : i32
      %dma_start3A_252 = arith.constant 0 : i32
      %dma_start3A_253 = tpu.memref_slice %arg6[%dma_start3A_239, %dma_start3A_251, %dma_start3A_252] : memref<4x128x128xf32, #tpu.memory_space<vmem>> -> memref<1x128x128xf32, #tpu.memory_space<vmem>>
      %dma_start3A_254 = tpu.memref_squeeze %dma_start3A_253 : memref<1x128x128xf32, #tpu.memory_space<vmem>> -> memref<128x128xf32, #tpu.memory_space<vmem>>
      tpu.enqueue_dma source(%dma_start3A_254 : memref<128x128xf32, #tpu.memory_space<vmem>>) target(%dma_start3A_250 : memref<128x128xf32, #tpu.memory_space<hbm>>) target_semaphore(%dma_start3A_248 : memref<!tpu.dma_semaphore, #tpu.memory_space<semaphore_mem>>)
      %mul3A_255 = arith.constant 4 : i32
      %mul3A_256 = arith.muli %mul3A_255, %while3A_178 : i32
      %add3A_257 = arith.constant 2 : i32
      %add3A_258 = arith.addi %mul3A_256, %add3A_257 : i32
      %dma_wait3A_259 = arith.constant 2 : i32
      %dma_wait3A_260 = arith.constant 2 : i32
      %dma_wait3A_261 = arith.constant 0 : i32
      %dma_wait3A_262 = arith.constant 0 : i32
      %dma_wait3A_263 = tpu.memref_slice %arg6[%dma_wait3A_259, %dma_wait3A_261, %dma_wait3A_262] : memref<4x128x128xf32, #tpu.memory_space<vmem>> -> memref<1x128x128xf32, #tpu.memory_space<vmem>>
      %dma_wait3A_264 = tpu.memref_squeeze %dma_wait3A_263 : memref<1x128x128xf32, #tpu.memory_space<vmem>> -> memref<128x128xf32, #tpu.memory_space<vmem>>
      %dma_wait3A_265 = arith.constant 0 : i32
      %dma_wait3A_266 = tpu.memref_slice %arg5[%add3A_258, %dma_wait3A_265] : memref<128x128xi32, #tpu.memory_space<vmem>> -> memref<1x128xi32, #tpu.memory_space<vmem>>
      %dma_wait3A_267 = tpu.memref_squeeze %dma_wait3A_266 : memref<1x128xi32, #tpu.memory_space<vmem>> -> memref<128xi32, #tpu.memory_space<vmem>>
      %dma_wait3A_268 = arith.constant 0 : i32
      %dma_wait3A_269 = arith.constant 0 : i32
      %dma_wait3A_270 = tpu.memref_slice %arg2[%dma_wait3A_268, %dma_wait3A_269] : memref<50000x128xf32, #tpu.memory_space<hbm>> -> memref<50000x128xf32, #tpu.memory_space<hbm>>
      %dma_wait3A_271 = tpu.memref_slice %arg7[%dma_wait3A_260] : memref<4x!tpu.dma_semaphore, #tpu.memory_space<semaphore_mem>> -> memref<1x!tpu.dma_semaphore, #tpu.memory_space<semaphore_mem>>
      %dma_wait3A_272 = tpu.memref_squeeze %dma_wait3A_271 : memref<1x!tpu.dma_semaphore, #tpu.memory_space<semaphore_mem>> -> memref<!tpu.dma_semaphore, #tpu.memory_space<semaphore_mem>>
      tpu.wait_indirect_dma semaphore(%dma_wait3A_272 : memref<!tpu.dma_semaphore, #tpu.memory_space<semaphore_mem>>) src(%dma_wait3A_270 : memref<50000x128xf32, #tpu.memory_space<hbm>>) dst(%dma_wait3A_264 : memref<128x128xf32, #tpu.memory_space<vmem>>)
      %add3A_273 = arith.addi %multiple_of3A, %add3A_258 : i32
      %mul3A_274 = arith.constant 128 : i32
      %mul3A_275 = arith.muli %add3A_273, %mul3A_274 : i32
      %multiple_of3A_276 = tpu.assume_multiple %mul3A_275, 128 : i32
      %dma_start3A_277 = arith.constant 2 : i32
      %dma_start3A_278 = arith.constant 2 : i32
      %dma_start3A_279 = arith.constant 0 : i32
      %dma_start3A_280 = arith.constant 0 : i32
      %dma_start3A_281 = tpu.memref_slice %arg6[%dma_start3A_277, %dma_start3A_279, %dma_start3A_280] : memref<4x128x128xf32, #tpu.memory_space<vmem>> -> memref<1x128x128xf32, #tpu.memory_space<vmem>>
      %dma_start3A_282 = tpu.memref_squeeze %dma_start3A_281 : memref<1x128x128xf32, #tpu.memory_space<vmem>> -> memref<128x128xf32, #tpu.memory_space<vmem>>
      %dma_start3A_283 = arith.constant 0 : i32
      %dma_start3A_284 = tpu.memref_slice %arg4[%multiple_of3A_276, %dma_start3A_283] : memref<524288x128xf32, #tpu.memory_space<hbm>> -> memref<128x128xf32, #tpu.memory_space<hbm>>
      %dma_start3A_285 = tpu.memref_slice %arg8[%dma_start3A_278] : memref<4x!tpu.dma_semaphore, #tpu.memory_space<semaphore_mem>> -> memref<1x!tpu.dma_semaphore, #tpu.memory_space<semaphore_mem>>
      %dma_start3A_286 = tpu.memref_squeeze %dma_start3A_285 : memref<1x!tpu.dma_semaphore, #tpu.memory_space<semaphore_mem>> -> memref<!tpu.dma_semaphore, #tpu.memory_space<semaphore_mem>>
      %dma_start3A_287 = arith.constant 0 : i32
      %dma_start3A_288 = tpu.memref_slice %arg4[%multiple_of3A_276, %dma_start3A_287] : memref<524288x128xf32, #tpu.memory_space<hbm>> -> memref<128x128xf32, #tpu.memory_space<hbm>>
      %dma_start3A_289 = arith.constant 0 : i32
      %dma_start3A_290 = arith.constant 0 : i32
      %dma_start3A_291 = tpu.memref_slice %arg6[%dma_start3A_277, %dma_start3A_289, %dma_start3A_290] : memref<4x128x128xf32, #tpu.memory_space<vmem>> -> memref<1x128x128xf32, #tpu.memory_space<vmem>>
      %dma_start3A_292 = tpu.memref_squeeze %dma_start3A_291 : memref<1x128x128xf32, #tpu.memory_space<vmem>> -> memref<128x128xf32, #tpu.memory_space<vmem>>
      tpu.enqueue_dma source(%dma_start3A_292 : memref<128x128xf32, #tpu.memory_space<vmem>>) target(%dma_start3A_288 : memref<128x128xf32, #tpu.memory_space<hbm>>) target_semaphore(%dma_start3A_286 : memref<!tpu.dma_semaphore, #tpu.memory_space<semaphore_mem>>)
      %mul3A_293 = arith.constant 4 : i32
      %mul3A_294 = arith.muli %mul3A_293, %while3A_178 : i32
      %add3A_295 = arith.constant 3 : i32
      %add3A_296 = arith.addi %mul3A_294, %add3A_295 : i32
      %dma_wait3A_297 = arith.constant 3 : i32
      %dma_wait3A_298 = arith.constant 3 : i32
      %dma_wait3A_299 = arith.constant 0 : i32
      %dma_wait3A_300 = arith.constant 0 : i32
      %dma_wait3A_301 = tpu.memref_slice %arg6[%dma_wait3A_297, %dma_wait3A_299, %dma_wait3A_300] : memref<4x128x128xf32, #tpu.memory_space<vmem>> -> memref<1x128x128xf32, #tpu.memory_space<vmem>>
      %dma_wait3A_302 = tpu.memref_squeeze %dma_wait3A_301 : memref<1x128x128xf32, #tpu.memory_space<vmem>> -> memref<128x128xf32, #tpu.memory_space<vmem>>
      %dma_wait3A_303 = arith.constant 0 : i32
      %dma_wait3A_304 = tpu.memref_slice %arg5[%add3A_296, %dma_wait3A_303] : memref<128x128xi32, #tpu.memory_space<vmem>> -> memref<1x128xi32, #tpu.memory_space<vmem>>
      %dma_wait3A_305 = tpu.memref_squeeze %dma_wait3A_304 : memref<1x128xi32, #tpu.memory_space<vmem>> -> memref<128xi32, #tpu.memory_space<vmem>>
      %dma_wait3A_306 = arith.constant 0 : i32
      %dma_wait3A_307 = arith.constant 0 : i32
      %dma_wait3A_308 = tpu.memref_slice %arg2[%dma_wait3A_306, %dma_wait3A_307] : memref<50000x128xf32, #tpu.memory_space<hbm>> -> memref<50000x128xf32, #tpu.memory_space<hbm>>
      %dma_wait3A_309 = tpu.memref_slice %arg7[%dma_wait3A_298] : memref<4x!tpu.dma_semaphore, #tpu.memory_space<semaphore_mem>> -> memref<1x!tpu.dma_semaphore, #tpu.memory_space<semaphore_mem>>
      %dma_wait3A_310 = tpu.memref_squeeze %dma_wait3A_309 : memref<1x!tpu.dma_semaphore, #tpu.memory_space<semaphore_mem>> -> memref<!tpu.dma_semaphore, #tpu.memory_space<semaphore_mem>>
      tpu.wait_indirect_dma semaphore(%dma_wait3A_310 : memref<!tpu.dma_semaphore, #tpu.memory_space<semaphore_mem>>) src(%dma_wait3A_308 : memref<50000x128xf32, #tpu.memory_space<hbm>>) dst(%dma_wait3A_302 : memref<128x128xf32, #tpu.memory_space<vmem>>)
      %add3A_311 = arith.addi %multiple_of3A, %add3A_296 : i32
      %mul3A_312 = arith.constant 128 : i32
      %mul3A_313 = arith.muli %add3A_311, %mul3A_312 : i32
      %multiple_of3A_314 = tpu.assume_multiple %mul3A_313, 128 : i32
      %dma_start3A_315 = arith.constant 3 : i32
      %dma_start3A_316 = arith.constant 3 : i32
      %dma_start3A_317 = arith.constant 0 : i32
      %dma_start3A_318 = arith.constant 0 : i32
      %dma_start3A_319 = tpu.memref_slice %arg6[%dma_start3A_315, %dma_start3A_317, %dma_start3A_318] : memref<4x128x128xf32, #tpu.memory_space<vmem>> -> memref<1x128x128xf32, #tpu.memory_space<vmem>>
      %dma_start3A_320 = tpu.memref_squeeze %dma_start3A_319 : memref<1x128x128xf32, #tpu.memory_space<vmem>> -> memref<128x128xf32, #tpu.memory_space<vmem>>
      %dma_start3A_321 = arith.constant 0 : i32
      %dma_start3A_322 = tpu.memref_slice %arg4[%multiple_of3A_314, %dma_start3A_321] : memref<524288x128xf32, #tpu.memory_space<hbm>> -> memref<128x128xf32, #tpu.memory_space<hbm>>
      %dma_start3A_323 = tpu.memref_slice %arg8[%dma_start3A_316] : memref<4x!tpu.dma_semaphore, #tpu.memory_space<semaphore_mem>> -> memref<1x!tpu.dma_semaphore, #tpu.memory_space<semaphore_mem>>
      %dma_start3A_324 = tpu.memref_squeeze %dma_start3A_323 : memref<1x!tpu.dma_semaphore, #tpu.memory_space<semaphore_mem>> -> memref<!tpu.dma_semaphore, #tpu.memory_space<semaphore_mem>>
      %dma_start3A_325 = arith.constant 0 : i32
      %dma_start3A_326 = tpu.memref_slice %arg4[%multiple_of3A_314, %dma_start3A_325] : memref<524288x128xf32, #tpu.memory_space<hbm>> -> memref<128x128xf32, #tpu.memory_space<hbm>>
      %dma_start3A_327 = arith.constant 0 : i32
      %dma_start3A_328 = arith.constant 0 : i32
      %dma_start3A_329 = tpu.memref_slice %arg6[%dma_start3A_315, %dma_start3A_327, %dma_start3A_328] : memref<4x128x128xf32, #tpu.memory_space<vmem>> -> memref<1x128x128xf32, #tpu.memory_space<vmem>>
      %dma_start3A_330 = tpu.memref_squeeze %dma_start3A_329 : memref<1x128x128xf32, #tpu.memory_space<vmem>> -> memref<128x128xf32, #tpu.memory_space<vmem>>
      tpu.enqueue_dma source(%dma_start3A_330 : memref<128x128xf32, #tpu.memory_space<vmem>>) target(%dma_start3A_326 : memref<128x128xf32, #tpu.memory_space<hbm>>) target_semaphore(%dma_start3A_324 : memref<!tpu.dma_semaphore, #tpu.memory_space<semaphore_mem>>)
      %add3A_331 = arith.constant 1 : i32
      %add3A_332 = arith.addi %while3A_178, %add3A_331 : i32
      %mul3A_333 = arith.constant 4 : i32
      %mul3A_334 = arith.muli %mul3A_333, %add3A_332 : i32
      %add3A_335 = arith.constant 0 : i32
      %add3A_336 = arith.addi %mul3A_334, %add3A_335 : i32
      %lt3A = arith.cmpi slt, %add3A_336, %select_n3A : i32
      %convert_element_type3A = arith.extui %lt3A : i1 to i32
      %cond3A = arith.constant 0 : i32
      %cond3A_337 = arith.cmpi ne, %convert_element_type3A, %cond3A : i32
      scf.if %cond3A_337 {
        %sub3A_368 = arith.constant 4 : i32
        %sub3A_369 = arith.subi %add3A_336, %sub3A_368 : i32
        %add3A_370 = arith.addi %multiple_of3A, %sub3A_369 : i32
        %mul3A_371 = arith.constant 128 : i32
        %mul3A_372 = arith.muli %add3A_370, %mul3A_371 : i32
        %multiple_of3A_373 = tpu.assume_multiple %mul3A_372, 128 : i32
        %dma_wait3A_374 = arith.constant 0 : i32
        %dma_wait3A_375 = arith.constant 0 : i32
        %dma_wait3A_376 = arith.constant 0 : i32
        %dma_wait3A_377 = arith.constant 0 : i32
        %dma_wait3A_378 = tpu.memref_slice %arg6[%dma_wait3A_374, %dma_wait3A_376, %dma_wait3A_377] : memref<4x128x128xf32, #tpu.memory_space<vmem>> -> memref<1x128x128xf32, #tpu.memory_space<vmem>>
        %dma_wait3A_379 = tpu.memref_squeeze %dma_wait3A_378 : memref<1x128x128xf32, #tpu.memory_space<vmem>> -> memref<128x128xf32, #tpu.memory_space<vmem>>
        %dma_wait3A_380 = arith.constant 0 : i32
        %dma_wait3A_381 = tpu.memref_slice %arg4[%multiple_of3A_373, %dma_wait3A_380] : memref<524288x128xf32, #tpu.memory_space<hbm>> -> memref<128x128xf32, #tpu.memory_space<hbm>>
        %dma_wait3A_382 = tpu.memref_slice %arg8[%dma_wait3A_375] : memref<4x!tpu.dma_semaphore, #tpu.memory_space<semaphore_mem>> -> memref<1x!tpu.dma_semaphore, #tpu.memory_space<semaphore_mem>>
        %dma_wait3A_383 = tpu.memref_squeeze %dma_wait3A_382 : memref<1x!tpu.dma_semaphore, #tpu.memory_space<semaphore_mem>> -> memref<!tpu.dma_semaphore, #tpu.memory_space<semaphore_mem>>
        %dma_wait3A_384 = arith.constant 0 : i32
        %dma_wait3A_385 = tpu.memref_slice %arg4[%multiple_of3A_373, %dma_wait3A_384] : memref<524288x128xf32, #tpu.memory_space<hbm>> -> memref<128x128xf32, #tpu.memory_space<hbm>>
        %dma_wait3A_386 = arith.constant 0 : i32
        %dma_wait3A_387 = arith.constant 0 : i32
        %dma_wait3A_388 = tpu.memref_slice %arg6[%dma_wait3A_374, %dma_wait3A_386, %dma_wait3A_387] : memref<4x128x128xf32, #tpu.memory_space<vmem>> -> memref<1x128x128xf32, #tpu.memory_space<vmem>>
        %dma_wait3A_389 = tpu.memref_squeeze %dma_wait3A_388 : memref<1x128x128xf32, #tpu.memory_space<vmem>> -> memref<128x128xf32, #tpu.memory_space<vmem>>
        tpu.wait_dma2 semaphore(%dma_wait3A_383 : memref<!tpu.dma_semaphore, #tpu.memory_space<semaphore_mem>>) src(%dma_wait3A_389 : memref<128x128xf32, #tpu.memory_space<vmem>>) dst(%dma_wait3A_385 : memref<128x128xf32, #tpu.memory_space<hbm>>)
        %dma_start3A_390 = arith.constant 0 : i32
        %dma_start3A_391 = arith.constant 0 : i32
        %dma_start3A_392 = arith.constant 0 : i32
        %dma_start3A_393 = arith.constant 0 : i32
        %dma_start3A_394 = tpu.memref_slice %arg6[%dma_start3A_390, %dma_start3A_392, %dma_start3A_393] : memref<4x128x128xf32, #tpu.memory_space<vmem>> -> memref<1x128x128xf32, #tpu.memory_space<vmem>>
        %dma_start3A_395 = tpu.memref_squeeze %dma_start3A_394 : memref<1x128x128xf32, #tpu.memory_space<vmem>> -> memref<128x128xf32, #tpu.memory_space<vmem>>
        %dma_start3A_396 = arith.constant 0 : i32
        %dma_start3A_397 = tpu.memref_slice %arg5[%add3A_336, %dma_start3A_396] : memref<128x128xi32, #tpu.memory_space<vmem>> -> memref<1x128xi32, #tpu.memory_space<vmem>>
        %dma_start3A_398 = tpu.memref_squeeze %dma_start3A_397 : memref<1x128xi32, #tpu.memory_space<vmem>> -> memref<128xi32, #tpu.memory_space<vmem>>
        %dma_start3A_399 = arith.constant 0 : i32
        %dma_start3A_400 = arith.constant 0 : i32
        %dma_start3A_401 = tpu.memref_slice %arg2[%dma_start3A_399, %dma_start3A_400] : memref<50000x128xf32, #tpu.memory_space<hbm>> -> memref<50000x128xf32, #tpu.memory_space<hbm>>
        %dma_start3A_402 = tpu.memref_slice %arg7[%dma_start3A_391] : memref<4x!tpu.dma_semaphore, #tpu.memory_space<semaphore_mem>> -> memref<1x!tpu.dma_semaphore, #tpu.memory_space<semaphore_mem>>
        %dma_start3A_403 = tpu.memref_squeeze %dma_start3A_402 : memref<1x!tpu.dma_semaphore, #tpu.memory_space<semaphore_mem>> -> memref<!tpu.dma_semaphore, #tpu.memory_space<semaphore_mem>>
        tpu.enqueue_indirect_dma source(%dma_start3A_401 : memref<50000x128xf32, #tpu.memory_space<hbm>>) target(%dma_start3A_395 : memref<128x128xf32, #tpu.memory_space<vmem>>) offsets(%dma_start3A_398 : memref<128xi32, #tpu.memory_space<vmem>>) semaphore(%dma_start3A_403 : memref<!tpu.dma_semaphore, #tpu.memory_space<semaphore_mem>>)
      } else {
      }
      %add3A_338 = arith.constant 1 : i32
      %add3A_339 = arith.addi %while3A_178, %add3A_338 : i32
      %mul3A_340 = arith.constant 4 : i32
      %mul3A_341 = arith.muli %mul3A_340, %add3A_339 : i32
      %add3A_342 = arith.constant 1 : i32
      %add3A_343 = arith.addi %mul3A_341, %add3A_342 : i32
      %lt3A_344 = arith.cmpi slt, %add3A_343, %select_n3A : i32
      %convert_element_type3A_345 = arith.extui %lt3A_344 : i1 to i32
      %cond3A_346 = arith.constant 0 : i32
      %cond3A_347 = arith.cmpi ne, %convert_element_type3A_345, %cond3A_346 : i32
      scf.if %cond3A_347 {
        %sub3A_368 = arith.constant 4 : i32
        %sub3A_369 = arith.subi %add3A_343, %sub3A_368 : i32
        %add3A_370 = arith.addi %multiple_of3A, %sub3A_369 : i32
        %mul3A_371 = arith.constant 128 : i32
        %mul3A_372 = arith.muli %add3A_370, %mul3A_371 : i32
        %multiple_of3A_373 = tpu.assume_multiple %mul3A_372, 128 : i32
        %dma_wait3A_374 = arith.constant 1 : i32
        %dma_wait3A_375 = arith.constant 1 : i32
        %dma_wait3A_376 = arith.constant 0 : i32
        %dma_wait3A_377 = arith.constant 0 : i32
        %dma_wait3A_378 = tpu.memref_slice %arg6[%dma_wait3A_374, %dma_wait3A_376, %dma_wait3A_377] : memref<4x128x128xf32, #tpu.memory_space<vmem>> -> memref<1x128x128xf32, #tpu.memory_space<vmem>>
        %dma_wait3A_379 = tpu.memref_squeeze %dma_wait3A_378 : memref<1x128x128xf32, #tpu.memory_space<vmem>> -> memref<128x128xf32, #tpu.memory_space<vmem>>
        %dma_wait3A_380 = arith.constant 0 : i32
        %dma_wait3A_381 = tpu.memref_slice %arg4[%multiple_of3A_373, %dma_wait3A_380] : memref<524288x128xf32, #tpu.memory_space<hbm>> -> memref<128x128xf32, #tpu.memory_space<hbm>>
        %dma_wait3A_382 = tpu.memref_slice %arg8[%dma_wait3A_375] : memref<4x!tpu.dma_semaphore, #tpu.memory_space<semaphore_mem>> -> memref<1x!tpu.dma_semaphore, #tpu.memory_space<semaphore_mem>>
        %dma_wait3A_383 = tpu.memref_squeeze %dma_wait3A_382 : memref<1x!tpu.dma_semaphore, #tpu.memory_space<semaphore_mem>> -> memref<!tpu.dma_semaphore, #tpu.memory_space<semaphore_mem>>
        %dma_wait3A_384 = arith.constant 0 : i32
        %dma_wait3A_385 = tpu.memref_slice %arg4[%multiple_of3A_373, %dma_wait3A_384] : memref<524288x128xf32, #tpu.memory_space<hbm>> -> memref<128x128xf32, #tpu.memory_space<hbm>>
        %dma_wait3A_386 = arith.constant 0 : i32
        %dma_wait3A_387 = arith.constant 0 : i32
        %dma_wait3A_388 = tpu.memref_slice %arg6[%dma_wait3A_374, %dma_wait3A_386, %dma_wait3A_387] : memref<4x128x128xf32, #tpu.memory_space<vmem>> -> memref<1x128x128xf32, #tpu.memory_space<vmem>>
        %dma_wait3A_389 = tpu.memref_squeeze %dma_wait3A_388 : memref<1x128x128xf32, #tpu.memory_space<vmem>> -> memref<128x128xf32, #tpu.memory_space<vmem>>
        tpu.wait_dma2 semaphore(%dma_wait3A_383 : memref<!tpu.dma_semaphore, #tpu.memory_space<semaphore_mem>>) src(%dma_wait3A_389 : memref<128x128xf32, #tpu.memory_space<vmem>>) dst(%dma_wait3A_385 : memref<128x128xf32, #tpu.memory_space<hbm>>)
        %dma_start3A_390 = arith.constant 1 : i32
        %dma_start3A_391 = arith.constant 1 : i32
        %dma_start3A_392 = arith.constant 0 : i32
        %dma_start3A_393 = arith.constant 0 : i32
        %dma_start3A_394 = tpu.memref_slice %arg6[%dma_start3A_390, %dma_start3A_392, %dma_start3A_393] : memref<4x128x128xf32, #tpu.memory_space<vmem>> -> memref<1x128x128xf32, #tpu.memory_space<vmem>>
        %dma_start3A_395 = tpu.memref_squeeze %dma_start3A_394 : memref<1x128x128xf32, #tpu.memory_space<vmem>> -> memref<128x128xf32, #tpu.memory_space<vmem>>
        %dma_start3A_396 = arith.constant 0 : i32
        %dma_start3A_397 = tpu.memref_slice %arg5[%add3A_343, %dma_start3A_396] : memref<128x128xi32, #tpu.memory_space<vmem>> -> memref<1x128xi32, #tpu.memory_space<vmem>>
        %dma_start3A_398 = tpu.memref_squeeze %dma_start3A_397 : memref<1x128xi32, #tpu.memory_space<vmem>> -> memref<128xi32, #tpu.memory_space<vmem>>
        %dma_start3A_399 = arith.constant 0 : i32
        %dma_start3A_400 = arith.constant 0 : i32
        %dma_start3A_401 = tpu.memref_slice %arg2[%dma_start3A_399, %dma_start3A_400] : memref<50000x128xf32, #tpu.memory_space<hbm>> -> memref<50000x128xf32, #tpu.memory_space<hbm>>
        %dma_start3A_402 = tpu.memref_slice %arg7[%dma_start3A_391] : memref<4x!tpu.dma_semaphore, #tpu.memory_space<semaphore_mem>> -> memref<1x!tpu.dma_semaphore, #tpu.memory_space<semaphore_mem>>
        %dma_start3A_403 = tpu.memref_squeeze %dma_start3A_402 : memref<1x!tpu.dma_semaphore, #tpu.memory_space<semaphore_mem>> -> memref<!tpu.dma_semaphore, #tpu.memory_space<semaphore_mem>>
        tpu.enqueue_indirect_dma source(%dma_start3A_401 : memref<50000x128xf32, #tpu.memory_space<hbm>>) target(%dma_start3A_395 : memref<128x128xf32, #tpu.memory_space<vmem>>) offsets(%dma_start3A_398 : memref<128xi32, #tpu.memory_space<vmem>>) semaphore(%dma_start3A_403 : memref<!tpu.dma_semaphore, #tpu.memory_space<semaphore_mem>>)
      } else {
      }
      %add3A_348 = arith.constant 1 : i32
      %add3A_349 = arith.addi %while3A_178, %add3A_348 : i32
      %mul3A_350 = arith.constant 4 : i32
      %mul3A_351 = arith.muli %mul3A_350, %add3A_349 : i32
      %add3A_352 = arith.constant 2 : i32
      %add3A_353 = arith.addi %mul3A_351, %add3A_352 : i32
      %lt3A_354 = arith.cmpi slt, %add3A_353, %select_n3A : i32
      %convert_element_type3A_355 = arith.extui %lt3A_354 : i1 to i32
      %cond3A_356 = arith.constant 0 : i32
      %cond3A_357 = arith.cmpi ne, %convert_element_type3A_355, %cond3A_356 : i32
      scf.if %cond3A_357 {
        %sub3A_368 = arith.constant 4 : i32
        %sub3A_369 = arith.subi %add3A_353, %sub3A_368 : i32
        %add3A_370 = arith.addi %multiple_of3A, %sub3A_369 : i32
        %mul3A_371 = arith.constant 128 : i32
        %mul3A_372 = arith.muli %add3A_370, %mul3A_371 : i32
        %multiple_of3A_373 = tpu.assume_multiple %mul3A_372, 128 : i32
        %dma_wait3A_374 = arith.constant 2 : i32
        %dma_wait3A_375 = arith.constant 2 : i32
        %dma_wait3A_376 = arith.constant 0 : i32
        %dma_wait3A_377 = arith.constant 0 : i32
        %dma_wait3A_378 = tpu.memref_slice %arg6[%dma_wait3A_374, %dma_wait3A_376, %dma_wait3A_377] : memref<4x128x128xf32, #tpu.memory_space<vmem>> -> memref<1x128x128xf32, #tpu.memory_space<vmem>>
        %dma_wait3A_379 = tpu.memref_squeeze %dma_wait3A_378 : memref<1x128x128xf32, #tpu.memory_space<vmem>> -> memref<128x128xf32, #tpu.memory_space<vmem>>
        %dma_wait3A_380 = arith.constant 0 : i32
        %dma_wait3A_381 = tpu.memref_slice %arg4[%multiple_of3A_373, %dma_wait3A_380] : memref<524288x128xf32, #tpu.memory_space<hbm>> -> memref<128x128xf32, #tpu.memory_space<hbm>>
        %dma_wait3A_382 = tpu.memref_slice %arg8[%dma_wait3A_375] : memref<4x!tpu.dma_semaphore, #tpu.memory_space<semaphore_mem>> -> memref<1x!tpu.dma_semaphore, #tpu.memory_space<semaphore_mem>>
        %dma_wait3A_383 = tpu.memref_squeeze %dma_wait3A_382 : memref<1x!tpu.dma_semaphore, #tpu.memory_space<semaphore_mem>> -> memref<!tpu.dma_semaphore, #tpu.memory_space<semaphore_mem>>
        %dma_wait3A_384 = arith.constant 0 : i32
        %dma_wait3A_385 = tpu.memref_slice %arg4[%multiple_of3A_373, %dma_wait3A_384] : memref<524288x128xf32, #tpu.memory_space<hbm>> -> memref<128x128xf32, #tpu.memory_space<hbm>>
        %dma_wait3A_386 = arith.constant 0 : i32
        %dma_wait3A_387 = arith.constant 0 : i32
        %dma_wait3A_388 = tpu.memref_slice %arg6[%dma_wait3A_374, %dma_wait3A_386, %dma_wait3A_387] : memref<4x128x128xf32, #tpu.memory_space<vmem>> -> memref<1x128x128xf32, #tpu.memory_space<vmem>>
        %dma_wait3A_389 = tpu.memref_squeeze %dma_wait3A_388 : memref<1x128x128xf32, #tpu.memory_space<vmem>> -> memref<128x128xf32, #tpu.memory_space<vmem>>
        tpu.wait_dma2 semaphore(%dma_wait3A_383 : memref<!tpu.dma_semaphore, #tpu.memory_space<semaphore_mem>>) src(%dma_wait3A_389 : memref<128x128xf32, #tpu.memory_space<vmem>>) dst(%dma_wait3A_385 : memref<128x128xf32, #tpu.memory_space<hbm>>)
        %dma_start3A_390 = arith.constant 2 : i32
        %dma_start3A_391 = arith.constant 2 : i32
        %dma_start3A_392 = arith.constant 0 : i32
        %dma_start3A_393 = arith.constant 0 : i32
        %dma_start3A_394 = tpu.memref_slice %arg6[%dma_start3A_390, %dma_start3A_392, %dma_start3A_393] : memref<4x128x128xf32, #tpu.memory_space<vmem>> -> memref<1x128x128xf32, #tpu.memory_space<vmem>>
        %dma_start3A_395 = tpu.memref_squeeze %dma_start3A_394 : memref<1x128x128xf32, #tpu.memory_space<vmem>> -> memref<128x128xf32, #tpu.memory_space<vmem>>
        %dma_start3A_396 = arith.constant 0 : i32
        %dma_start3A_397 = tpu.memref_slice %arg5[%add3A_353, %dma_start3A_396] : memref<128x128xi32, #tpu.memory_space<vmem>> -> memref<1x128xi32, #tpu.memory_space<vmem>>
        %dma_start3A_398 = tpu.memref_squeeze %dma_start3A_397 : memref<1x128xi32, #tpu.memory_space<vmem>> -> memref<128xi32, #tpu.memory_space<vmem>>
        %dma_start3A_399 = arith.constant 0 : i32
        %dma_start3A_400 = arith.constant 0 : i32
        %dma_start3A_401 = tpu.memref_slice %arg2[%dma_start3A_399, %dma_start3A_400] : memref<50000x128xf32, #tpu.memory_space<hbm>> -> memref<50000x128xf32, #tpu.memory_space<hbm>>
        %dma_start3A_402 = tpu.memref_slice %arg7[%dma_start3A_391] : memref<4x!tpu.dma_semaphore, #tpu.memory_space<semaphore_mem>> -> memref<1x!tpu.dma_semaphore, #tpu.memory_space<semaphore_mem>>
        %dma_start3A_403 = tpu.memref_squeeze %dma_start3A_402 : memref<1x!tpu.dma_semaphore, #tpu.memory_space<semaphore_mem>> -> memref<!tpu.dma_semaphore, #tpu.memory_space<semaphore_mem>>
        tpu.enqueue_indirect_dma source(%dma_start3A_401 : memref<50000x128xf32, #tpu.memory_space<hbm>>) target(%dma_start3A_395 : memref<128x128xf32, #tpu.memory_space<vmem>>) offsets(%dma_start3A_398 : memref<128xi32, #tpu.memory_space<vmem>>) semaphore(%dma_start3A_403 : memref<!tpu.dma_semaphore, #tpu.memory_space<semaphore_mem>>)
      } else {
      }
      %add3A_358 = arith.constant 1 : i32
      %add3A_359 = arith.addi %while3A_178, %add3A_358 : i32
      %mul3A_360 = arith.constant 4 : i32
      %mul3A_361 = arith.muli %mul3A_360, %add3A_359 : i32
      %add3A_362 = arith.constant 3 : i32
      %add3A_363 = arith.addi %mul3A_361, %add3A_362 : i32
      %lt3A_364 = arith.cmpi slt, %add3A_363, %select_n3A : i32
      %convert_element_type3A_365 = arith.extui %lt3A_364 : i1 to i32
      %cond3A_366 = arith.constant 0 : i32
      %cond3A_367 = arith.cmpi ne, %convert_element_type3A_365, %cond3A_366 : i32
      scf.if %cond3A_367 {
        %sub3A_368 = arith.constant 4 : i32
        %sub3A_369 = arith.subi %add3A_363, %sub3A_368 : i32
        %add3A_370 = arith.addi %multiple_of3A, %sub3A_369 : i32
        %mul3A_371 = arith.constant 128 : i32
        %mul3A_372 = arith.muli %add3A_370, %mul3A_371 : i32
        %multiple_of3A_373 = tpu.assume_multiple %mul3A_372, 128 : i32
        %dma_wait3A_374 = arith.constant 3 : i32
        %dma_wait3A_375 = arith.constant 3 : i32
        %dma_wait3A_376 = arith.constant 0 : i32
        %dma_wait3A_377 = arith.constant 0 : i32
        %dma_wait3A_378 = tpu.memref_slice %arg6[%dma_wait3A_374, %dma_wait3A_376, %dma_wait3A_377] : memref<4x128x128xf32, #tpu.memory_space<vmem>> -> memref<1x128x128xf32, #tpu.memory_space<vmem>>
        %dma_wait3A_379 = tpu.memref_squeeze %dma_wait3A_378 : memref<1x128x128xf32, #tpu.memory_space<vmem>> -> memref<128x128xf32, #tpu.memory_space<vmem>>
        %dma_wait3A_380 = arith.constant 0 : i32
        %dma_wait3A_381 = tpu.memref_slice %arg4[%multiple_of3A_373, %dma_wait3A_380] : memref<524288x128xf32, #tpu.memory_space<hbm>> -> memref<128x128xf32, #tpu.memory_space<hbm>>
        %dma_wait3A_382 = tpu.memref_slice %arg8[%dma_wait3A_375] : memref<4x!tpu.dma_semaphore, #tpu.memory_space<semaphore_mem>> -> memref<1x!tpu.dma_semaphore, #tpu.memory_space<semaphore_mem>>
        %dma_wait3A_383 = tpu.memref_squeeze %dma_wait3A_382 : memref<1x!tpu.dma_semaphore, #tpu.memory_space<semaphore_mem>> -> memref<!tpu.dma_semaphore, #tpu.memory_space<semaphore_mem>>
        %dma_wait3A_384 = arith.constant 0 : i32
        %dma_wait3A_385 = tpu.memref_slice %arg4[%multiple_of3A_373, %dma_wait3A_384] : memref<524288x128xf32, #tpu.memory_space<hbm>> -> memref<128x128xf32, #tpu.memory_space<hbm>>
        %dma_wait3A_386 = arith.constant 0 : i32
        %dma_wait3A_387 = arith.constant 0 : i32
        %dma_wait3A_388 = tpu.memref_slice %arg6[%dma_wait3A_374, %dma_wait3A_386, %dma_wait3A_387] : memref<4x128x128xf32, #tpu.memory_space<vmem>> -> memref<1x128x128xf32, #tpu.memory_space<vmem>>
        %dma_wait3A_389 = tpu.memref_squeeze %dma_wait3A_388 : memref<1x128x128xf32, #tpu.memory_space<vmem>> -> memref<128x128xf32, #tpu.memory_space<vmem>>
        tpu.wait_dma2 semaphore(%dma_wait3A_383 : memref<!tpu.dma_semaphore, #tpu.memory_space<semaphore_mem>>) src(%dma_wait3A_389 : memref<128x128xf32, #tpu.memory_space<vmem>>) dst(%dma_wait3A_385 : memref<128x128xf32, #tpu.memory_space<hbm>>)
        %dma_start3A_390 = arith.constant 3 : i32
        %dma_start3A_391 = arith.constant 3 : i32
        %dma_start3A_392 = arith.constant 0 : i32
        %dma_start3A_393 = arith.constant 0 : i32
        %dma_start3A_394 = tpu.memref_slice %arg6[%dma_start3A_390, %dma_start3A_392, %dma_start3A_393] : memref<4x128x128xf32, #tpu.memory_space<vmem>> -> memref<1x128x128xf32, #tpu.memory_space<vmem>>
        %dma_start3A_395 = tpu.memref_squeeze %dma_start3A_394 : memref<1x128x128xf32, #tpu.memory_space<vmem>> -> memref<128x128xf32, #tpu.memory_space<vmem>>
        %dma_start3A_396 = arith.constant 0 : i32
        %dma_start3A_397 = tpu.memref_slice %arg5[%add3A_363, %dma_start3A_396] : memref<128x128xi32, #tpu.memory_space<vmem>> -> memref<1x128xi32, #tpu.memory_space<vmem>>
        %dma_start3A_398 = tpu.memref_squeeze %dma_start3A_397 : memref<1x128xi32, #tpu.memory_space<vmem>> -> memref<128xi32, #tpu.memory_space<vmem>>
        %dma_start3A_399 = arith.constant 0 : i32
        %dma_start3A_400 = arith.constant 0 : i32
        %dma_start3A_401 = tpu.memref_slice %arg2[%dma_start3A_399, %dma_start3A_400] : memref<50000x128xf32, #tpu.memory_space<hbm>> -> memref<50000x128xf32, #tpu.memory_space<hbm>>
        %dma_start3A_402 = tpu.memref_slice %arg7[%dma_start3A_391] : memref<4x!tpu.dma_semaphore, #tpu.memory_space<semaphore_mem>> -> memref<1x!tpu.dma_semaphore, #tpu.memory_space<semaphore_mem>>
        %dma_start3A_403 = tpu.memref_squeeze %dma_start3A_402 : memref<1x!tpu.dma_semaphore, #tpu.memory_space<semaphore_mem>> -> memref<!tpu.dma_semaphore, #tpu.memory_space<semaphore_mem>>
        tpu.enqueue_indirect_dma source(%dma_start3A_401 : memref<50000x128xf32, #tpu.memory_space<hbm>>) target(%dma_start3A_395 : memref<128x128xf32, #tpu.memory_space<vmem>>) offsets(%dma_start3A_398 : memref<128xi32, #tpu.memory_space<vmem>>) semaphore(%dma_start3A_403 : memref<!tpu.dma_semaphore, #tpu.memory_space<semaphore_mem>>)
      } else {
      }
    }
    %add3A_95 = arith.constant 0 : i32
    %add3A_96 = arith.addi %multiple_of3A, %add3A_95 : i32
    %mul3A_97 = arith.constant 128 : i32
    %mul3A_98 = arith.muli %add3A_96, %mul3A_97 : i32
    %multiple_of3A_99 = tpu.assume_multiple %mul3A_98, 128 : i32
    %dma_wait3A = arith.constant 0 : i32
    %dma_wait3A_100 = arith.constant 0 : i32
    %dma_wait3A_101 = arith.constant 0 : i32
    %dma_wait3A_102 = arith.constant 0 : i32
    %dma_wait3A_103 = tpu.memref_slice %arg6[%dma_wait3A, %dma_wait3A_101, %dma_wait3A_102] : memref<4x128x128xf32, #tpu.memory_space<vmem>> -> memref<1x128x128xf32, #tpu.memory_space<vmem>>
    %dma_wait3A_104 = tpu.memref_squeeze %dma_wait3A_103 : memref<1x128x128xf32, #tpu.memory_space<vmem>> -> memref<128x128xf32, #tpu.memory_space<vmem>>
    %dma_wait3A_105 = arith.constant 0 : i32
    %dma_wait3A_106 = tpu.memref_slice %arg4[%multiple_of3A_99, %dma_wait3A_105] : memref<524288x128xf32, #tpu.memory_space<hbm>> -> memref<128x128xf32, #tpu.memory_space<hbm>>
    %dma_wait3A_107 = tpu.memref_slice %arg8[%dma_wait3A_100] : memref<4x!tpu.dma_semaphore, #tpu.memory_space<semaphore_mem>> -> memref<1x!tpu.dma_semaphore, #tpu.memory_space<semaphore_mem>>
    %dma_wait3A_108 = tpu.memref_squeeze %dma_wait3A_107 : memref<1x!tpu.dma_semaphore, #tpu.memory_space<semaphore_mem>> -> memref<!tpu.dma_semaphore, #tpu.memory_space<semaphore_mem>>
    %dma_wait3A_109 = arith.constant 0 : i32
    %dma_wait3A_110 = tpu.memref_slice %arg4[%multiple_of3A_99, %dma_wait3A_109] : memref<524288x128xf32, #tpu.memory_space<hbm>> -> memref<128x128xf32, #tpu.memory_space<hbm>>
    %dma_wait3A_111 = arith.constant 0 : i32
    %dma_wait3A_112 = arith.constant 0 : i32
    %dma_wait3A_113 = tpu.memref_slice %arg6[%dma_wait3A, %dma_wait3A_111, %dma_wait3A_112] : memref<4x128x128xf32, #tpu.memory_space<vmem>> -> memref<1x128x128xf32, #tpu.memory_space<vmem>>
    %dma_wait3A_114 = tpu.memref_squeeze %dma_wait3A_113 : memref<1x128x128xf32, #tpu.memory_space<vmem>> -> memref<128x128xf32, #tpu.memory_space<vmem>>
    tpu.wait_dma2 semaphore(%dma_wait3A_108 : memref<!tpu.dma_semaphore, #tpu.memory_space<semaphore_mem>>) src(%dma_wait3A_114 : memref<128x128xf32, #tpu.memory_space<vmem>>) dst(%dma_wait3A_110 : memref<128x128xf32, #tpu.memory_space<hbm>>)
    %add3A_115 = arith.constant 0 : i32
    %add3A_116 = arith.addi %multiple_of3A, %add3A_115 : i32
    %mul3A_117 = arith.constant 128 : i32
    %mul3A_118 = arith.muli %add3A_116, %mul3A_117 : i32
    %multiple_of3A_119 = tpu.assume_multiple %mul3A_118, 128 : i32
    %dma_wait3A_120 = arith.constant 1 : i32
    %dma_wait3A_121 = arith.constant 1 : i32
    %dma_wait3A_122 = arith.constant 0 : i32
    %dma_wait3A_123 = arith.constant 0 : i32
    %dma_wait3A_124 = tpu.memref_slice %arg6[%dma_wait3A_120, %dma_wait3A_122, %dma_wait3A_123] : memref<4x128x128xf32, #tpu.memory_space<vmem>> -> memref<1x128x128xf32, #tpu.memory_space<vmem>>
    %dma_wait3A_125 = tpu.memref_squeeze %dma_wait3A_124 : memref<1x128x128xf32, #tpu.memory_space<vmem>> -> memref<128x128xf32, #tpu.memory_space<vmem>>
    %dma_wait3A_126 = arith.constant 0 : i32
    %dma_wait3A_127 = tpu.memref_slice %arg4[%multiple_of3A_119, %dma_wait3A_126] : memref<524288x128xf32, #tpu.memory_space<hbm>> -> memref<128x128xf32, #tpu.memory_space<hbm>>
    %dma_wait3A_128 = tpu.memref_slice %arg8[%dma_wait3A_121] : memref<4x!tpu.dma_semaphore, #tpu.memory_space<semaphore_mem>> -> memref<1x!tpu.dma_semaphore, #tpu.memory_space<semaphore_mem>>
    %dma_wait3A_129 = tpu.memref_squeeze %dma_wait3A_128 : memref<1x!tpu.dma_semaphore, #tpu.memory_space<semaphore_mem>> -> memref<!tpu.dma_semaphore, #tpu.memory_space<semaphore_mem>>
    %dma_wait3A_130 = arith.constant 0 : i32
    %dma_wait3A_131 = tpu.memref_slice %arg4[%multiple_of3A_119, %dma_wait3A_130] : memref<524288x128xf32, #tpu.memory_space<hbm>> -> memref<128x128xf32, #tpu.memory_space<hbm>>
    %dma_wait3A_132 = arith.constant 0 : i32
    %dma_wait3A_133 = arith.constant 0 : i32
    %dma_wait3A_134 = tpu.memref_slice %arg6[%dma_wait3A_120, %dma_wait3A_132, %dma_wait3A_133] : memref<4x128x128xf32, #tpu.memory_space<vmem>> -> memref<1x128x128xf32, #tpu.memory_space<vmem>>
    %dma_wait3A_135 = tpu.memref_squeeze %dma_wait3A_134 : memref<1x128x128xf32, #tpu.memory_space<vmem>> -> memref<128x128xf32, #tpu.memory_space<vmem>>
    tpu.wait_dma2 semaphore(%dma_wait3A_129 : memref<!tpu.dma_semaphore, #tpu.memory_space<semaphore_mem>>) src(%dma_wait3A_135 : memref<128x128xf32, #tpu.memory_space<vmem>>) dst(%dma_wait3A_131 : memref<128x128xf32, #tpu.memory_space<hbm>>)
    %add3A_136 = arith.constant 0 : i32
    %add3A_137 = arith.addi %multiple_of3A, %add3A_136 : i32
    %mul3A_138 = arith.constant 128 : i32
    %mul3A_139 = arith.muli %add3A_137, %mul3A_138 : i32
    %multiple_of3A_140 = tpu.assume_multiple %mul3A_139, 128 : i32
    %dma_wait3A_141 = arith.constant 2 : i32
    %dma_wait3A_142 = arith.constant 2 : i32
    %dma_wait3A_143 = arith.constant 0 : i32
    %dma_wait3A_144 = arith.constant 0 : i32
    %dma_wait3A_145 = tpu.memref_slice %arg6[%dma_wait3A_141, %dma_wait3A_143, %dma_wait3A_144] : memref<4x128x128xf32, #tpu.memory_space<vmem>> -> memref<1x128x128xf32, #tpu.memory_space<vmem>>
    %dma_wait3A_146 = tpu.memref_squeeze %dma_wait3A_145 : memref<1x128x128xf32, #tpu.memory_space<vmem>> -> memref<128x128xf32, #tpu.memory_space<vmem>>
    %dma_wait3A_147 = arith.constant 0 : i32
    %dma_wait3A_148 = tpu.memref_slice %arg4[%multiple_of3A_140, %dma_wait3A_147] : memref<524288x128xf32, #tpu.memory_space<hbm>> -> memref<128x128xf32, #tpu.memory_space<hbm>>
    %dma_wait3A_149 = tpu.memref_slice %arg8[%dma_wait3A_142] : memref<4x!tpu.dma_semaphore, #tpu.memory_space<semaphore_mem>> -> memref<1x!tpu.dma_semaphore, #tpu.memory_space<semaphore_mem>>
    %dma_wait3A_150 = tpu.memref_squeeze %dma_wait3A_149 : memref<1x!tpu.dma_semaphore, #tpu.memory_space<semaphore_mem>> -> memref<!tpu.dma_semaphore, #tpu.memory_space<semaphore_mem>>
    %dma_wait3A_151 = arith.constant 0 : i32
    %dma_wait3A_152 = tpu.memref_slice %arg4[%multiple_of3A_140, %dma_wait3A_151] : memref<524288x128xf32, #tpu.memory_space<hbm>> -> memref<128x128xf32, #tpu.memory_space<hbm>>
    %dma_wait3A_153 = arith.constant 0 : i32
    %dma_wait3A_154 = arith.constant 0 : i32
    %dma_wait3A_155 = tpu.memref_slice %arg6[%dma_wait3A_141, %dma_wait3A_153, %dma_wait3A_154] : memref<4x128x128xf32, #tpu.memory_space<vmem>> -> memref<1x128x128xf32, #tpu.memory_space<vmem>>
    %dma_wait3A_156 = tpu.memref_squeeze %dma_wait3A_155 : memref<1x128x128xf32, #tpu.memory_space<vmem>> -> memref<128x128xf32, #tpu.memory_space<vmem>>
    tpu.wait_dma2 semaphore(%dma_wait3A_150 : memref<!tpu.dma_semaphore, #tpu.memory_space<semaphore_mem>>) src(%dma_wait3A_156 : memref<128x128xf32, #tpu.memory_space<vmem>>) dst(%dma_wait3A_152 : memref<128x128xf32, #tpu.memory_space<hbm>>)
    %add3A_157 = arith.constant 0 : i32
    %add3A_158 = arith.addi %multiple_of3A, %add3A_157 : i32
    %mul3A_159 = arith.constant 128 : i32
    %mul3A_160 = arith.muli %add3A_158, %mul3A_159 : i32
    %multiple_of3A_161 = tpu.assume_multiple %mul3A_160, 128 : i32
    %dma_wait3A_162 = arith.constant 3 : i32
    %dma_wait3A_163 = arith.constant 3 : i32
    %dma_wait3A_164 = arith.constant 0 : i32
    %dma_wait3A_165 = arith.constant 0 : i32
    %dma_wait3A_166 = tpu.memref_slice %arg6[%dma_wait3A_162, %dma_wait3A_164, %dma_wait3A_165] : memref<4x128x128xf32, #tpu.memory_space<vmem>> -> memref<1x128x128xf32, #tpu.memory_space<vmem>>
    %dma_wait3A_167 = tpu.memref_squeeze %dma_wait3A_166 : memref<1x128x128xf32, #tpu.memory_space<vmem>> -> memref<128x128xf32, #tpu.memory_space<vmem>>
    %dma_wait3A_168 = arith.constant 0 : i32
    %dma_wait3A_169 = tpu.memref_slice %arg4[%multiple_of3A_161, %dma_wait3A_168] : memref<524288x128xf32, #tpu.memory_space<hbm>> -> memref<128x128xf32, #tpu.memory_space<hbm>>
    %dma_wait3A_170 = tpu.memref_slice %arg8[%dma_wait3A_163] : memref<4x!tpu.dma_semaphore, #tpu.memory_space<semaphore_mem>> -> memref<1x!tpu.dma_semaphore, #tpu.memory_space<semaphore_mem>>
    %dma_wait3A_171 = tpu.memref_squeeze %dma_wait3A_170 : memref<1x!tpu.dma_semaphore, #tpu.memory_space<semaphore_mem>> -> memref<!tpu.dma_semaphore, #tpu.memory_space<semaphore_mem>>
    %dma_wait3A_172 = arith.constant 0 : i32
    %dma_wait3A_173 = tpu.memref_slice %arg4[%multiple_of3A_161, %dma_wait3A_172] : memref<524288x128xf32, #tpu.memory_space<hbm>> -> memref<128x128xf32, #tpu.memory_space<hbm>>
    %dma_wait3A_174 = arith.constant 0 : i32
    %dma_wait3A_175 = arith.constant 0 : i32
    %dma_wait3A_176 = tpu.memref_slice %arg6[%dma_wait3A_162, %dma_wait3A_174, %dma_wait3A_175] : memref<4x128x128xf32, #tpu.memory_space<vmem>> -> memref<1x128x128xf32, #tpu.memory_space<vmem>>
    %dma_wait3A_177 = tpu.memref_squeeze %dma_wait3A_176 : memref<1x128x128xf32, #tpu.memory_space<vmem>> -> memref<128x128xf32, #tpu.memory_space<vmem>>
    tpu.wait_dma2 semaphore(%dma_wait3A_171 : memref<!tpu.dma_semaphore, #tpu.memory_space<semaphore_mem>>) src(%dma_wait3A_177 : memref<128x128xf32, #tpu.memory_space<vmem>>) dst(%dma_wait3A_173 : memref<128x128xf32, #tpu.memory_space<hbm>>)
    return
  }
}

</mosaic_0001>

<sc_bundles>
// kernel: _sc_gather.3.cloned.1.call-start
scs
__scs_entry_jumppad:
0x0: {  	(pc) =	sbr.rel $0x88, $3  }
0x1: {  	(tag) =	ssettag $0x0;
	lr =	simm.s32 $0x1  }
0x2: {  	[smem:$0x3F9F] =	sst lr;
	_ =	strace $0xD0000000  }
0x3: {  	_ = 	snop  }
0x4: {  	_ = 	snop  }
0x5: {  	_ = 	snop  }
0x6: {  	_ = 	snop  }
0x7: {  	_ = 	snop  }
__scs_overlays_trampoline_lowered:
0x8: {  	[smem:$0x3FAE] =	sst s0  }
0x9: {  	[smem:$0x3FAF] =	sst s1  }
0xa: {  	[smem:$0x3FB0] =	sst s2  }
0xb: {  	[smem:$0x3FB1] =	sst s3  }
0xc: {  	[smem:$0x3FB2] =	sst s4  }
0xd: {  	[smem:$0x3FB3] =	sst s5  }
0xe: {  	[smem:$0x3FB4] =	sst s6  }
0xf: {  	[smem:$0x3FB5] =	sst s7  }
0x10: {  	[smem:$0x3FB6] =	sst s8  }
0x11: {  	[smem:$0x3FB7] =	sst s9;
	s0 =	simm.s32 @!p0 $0x0  }
0x12: {  	s1 =	sld [smem:$0x3F9D];
	s0 =	simm.s32 @p0 $0x1  }
0x13: {  	[smem:$0x3FB8] =	sst s0;
	s0 =	simm.s32 @!p1 $0x0  }
0x14: {  	s2 =	sld [smem:$0x3F9C];
	s0 =	simm.s32 @p1 $0x1  }
0x15: {  	[smem:$0x3FB9] =	sst s0;
	s0 =	simm.s32 @!p2 $0x0  }
0x16: {  	s3 =	sld [smem:$0x3FDB];
	s0 =	simm.s32 @p2 $0x1  }
0x17: {  	s4 =	simm.s32 $0x1BF5;
	[smem:$0x3FBB] =	sst s0  }
0x18: {  	s0 =	sld [smem:$0x3F9E];
	_ =	swait.ge [sflag:s4], $0x0  }
0x19: {  	s7 =	sld [smem:$0x3F9F]  }
0x1a: {  	s8 =	sadd.s32 $0xFFFFE003, lr  }
0x1b: {  	s9 =	sadd.s32 $0xFFFFFEF7, lr;
	s5 =	simm.s32 $0xFFFFFFFF;
	p2 =	slt.u32 s8, $0xFFFFF086  }
0x1c: {  	p1 =	slt.u32 s9, $0xF7A;
	s5 =	simm.s32 @!p2 $0x0  }
0x1d: {  	s5 =	simm.s32 @p1 $0x1;
	p0 =	seq.s32 s7, s2  }
0x1e: {  	s7 =	smul.u32 @!p0 $0xF7A, s2;
	p2 =	seq.s32 @!p0 s5, $0x0  }
0x1f: {  	s9 =	smul.u32 $0xF7A, s1;
	s8 =	simm.s32 @!p0 $0x1BF5;
	p2 =	por !p2, p0  }
0x20: {  	[sflag:s8] =	ssyncset.s32 @!p0 $0xFFFFF086;
	s6 =	sadd.s32 @!p0 s3, s7;
	s7 =	simm.s32 @!p0 $0x108  }
0x21: {  	s3 =	sadd.s32 s3, s9;
	s6 =	sadd.s32 @!p0 $0x88, s6;
	s7 =	simm.s32 @p2 $0x1082  }
0x22: {  	[simem:s7], [sflag:s8] =	dma.local @!p0 [hbm:s6], $0xF7A  }
0x23: {  	s9 =	sor.u32 $0xD0000000, s2;
	s6 =	simm.s32 $0x108;
	_ =	swait.ge @!p0 [sflag:s8], $0x0  }
0x24: {  	s3 =	sadd.s32 $0x88, s3;
	s6 =	simm.s32 @!p1 $0x1082;
	[sflag:s4] =	ssyncset.s32 $0xFFFFF086  }
0x25: {  	[simem:s6], [sflag:s4] =	dma.local [hbm:s3], $0xF7A  }
0x26: {  	[smem:$0x3F9F] =	sst s1;
	(tag) =	ssettag s2;
	_ =	strace s9  }
0x27: {  	s1 =	sld [smem:$0x3FAF]  }
0x28: {  	s2 =	sld [smem:$0x3FB0]  }
0x29: {  	s4 =	sld [smem:$0x3FB2]  }
0x2a: {  	p0 =	seq.s32 s5, $0x0;
	s5 =	sld [smem:$0x3FB3]  }
0x2b: {  	s6 =	sld [smem:$0x3FB4]  }
0x2c: {  	s7 =	sld [smem:$0x3FB5]  }
0x2d: {  	s3 =	simm.s32 $0x108;
	s8 =	sld [smem:$0x3FB6]  }
0x2e: {  	s3 =	simm.s32 @!p0 $0x1082;
	s9 =	sld [smem:$0x3FB7]  }
0x2f: {  	lr =	sadd.s32 s0, s3;
	s0 =	sld [smem:$0x3FAE]  }
0x30: {  	s3 =	sld [smem:$0x3FB1]  }
0x31: {  	[smem:$0x3FBA] =	sst s10  }
0x32: {  	s10 =	sld [smem:$0x3FB8];
	_ =	sdelay $0x3  }
0x33: {  	p0 =	seq.s32 s10, $0x1;
	s10 =	sld [smem:$0x3FBA];
	_ =	sdelay $0x3  }
0x34: {  	[smem:$0x3FBA] =	sst s10  }
0x35: {  	s10 =	sld [smem:$0x3FB9];
	_ =	sdelay $0x3  }
0x36: {  	p1 =	seq.s32 s10, $0x1;
	s10 =	sld [smem:$0x3FBA];
	_ =	sdelay $0x3  }
0x37: {  	[smem:$0x3FBA] =	sst s10  }
0x38: {  	s10 =	sld [smem:$0x3FBB]  }
0x39: {  	_ = 	snop;
	(pc) =	sbr.ind lr, $3  }
0x3a: {  	_ = 	snop  }
0x3b: {  	_ = 	snop  }
0x3c: {  	p2 =	seq.s32 s10, $0x1;
	s10 =	sld [smem:$0x3FBA]  }
0x3d: {  	_ =	shalt  }
0x3e: {  	_ =	shalt  }
0x3f: {  	_ =	shalt  }
0x40: {  	_ =	shalt  }
0x41: {  	_ =	shalt  }
0x42: {  	_ =	shalt  }
0x43: {  	_ =	shalt  }
0x44: {  	_ =	shalt  }
0x45: {  	_ =	shalt  }
0x46: {  	_ =	shalt  }
0x47: {  	_ =	shalt  }
0x48: {  	_ =	shalt  }
0x49: {  	_ =	shalt  }
0x4a: {  	_ =	shalt  }
0x4b: {  	_ =	shalt  }
0x4c: {  	_ =	shalt  }
0x4d: {  	_ =	shalt  }
0x4e: {  	_ =	shalt  }
0x4f: {  	_ =	shalt  }
0x50: {  	_ =	shalt  }
0x51: {  	_ =	shalt  }
0x52: {  	_ =	shalt  }
0x53: {  	_ =	shalt  }
0x54: {  	_ =	shalt  }
0x55: {  	_ =	shalt  }
0x56: {  	_ =	shalt  }
0x57: {  	_ =	shalt  }
0x58: {  	_ =	shalt  }
0x59: {  	_ =	shalt  }
0x5a: {  	_ =	shalt  }
0x5b: {  	_ =	shalt  }
0x5c: {  	_ =	shalt  }
0x5d: {  	_ =	shalt  }
0x5e: {  	_ =	shalt  }
0x5f: {  	_ =	shalt  }
0x60: {  	_ =	shalt  }
0x61: {  	_ =	shalt  }
0x62: {  	_ =	shalt  }
0x63: {  	_ =	shalt  }
0x64: {  	_ =	shalt  }
0x65: {  	_ =	shalt  }
0x66: {  	_ =	shalt  }
0x67: {  	_ =	shalt  }
0x68: {  	_ =	shalt  }
0x69: {  	_ =	shalt  }
0x6a: {  	_ =	shalt  }
0x6b: {  	_ =	shalt  }
0x6c: {  	_ =	shalt  }
0x6d: {  	_ =	shalt  }
0x6e: {  	_ =	shalt  }
0x6f: {  	_ =	shalt  }
0x70: {  	_ =	shalt  }
0x71: {  	_ =	shalt  }
0x72: {  	_ =	shalt  }
0x73: {  	_ =	shalt  }
0x74: {  	_ =	shalt  }
0x75: {  	_ =	shalt  }
0x76: {  	_ =	shalt  }
0x77: {  	_ =	shalt  }
0x78: {  	_ =	shalt  }
0x79: {  	_ =	shalt  }
0x7a: {  	_ =	shalt  }
0x7b: {  	_ =	shalt  }
0x7c: {  	_ =	shalt  }
0x7d: {  	_ =	shalt  }
0x7e: {  	_ =	shalt  }
0x7f: {  	_ =	shalt  }
0x80: {  	_ =	shalt  }
0x81: {  	_ =	shalt  }
0x82: {  	_ =	shalt  }
0x83: {  	_ =	shalt  }
0x84: {  	_ =	shalt  }
0x85: {  	_ =	shalt  }
0x86: {  	_ =	shalt  }
0x87: {  	_ =	shalt  }
.Lfunc_end0:
.L_simem_size_0:
called_computation_lowered:
.L_overlay_start_0:
0x88: {  	s2 =	sld [smem:$0x3FD9]  }
0x89: {  	s3 =	sld [smem:$0x3FFE];
	_ =	sdelay $0x1  }
0x8a: {  	s1 =	srdreg.scid  }
0x8b: {  	s0 =	sand.u32 $0x1, s1  }
0x8c: {  	s18 =	sshll.u32 s0, $0xA;
	s2 =	sadd.s32 s3, s2  }
0x8d: {  	s2 =	sadd.s32 s2, s18  }
0x8e: {  	[smem:$0x3FC6] =	sst s2  }
0x8f: {  	_ = 	snop  }
0x90: {  	s2 =	sld [smem:$0x3FC9]  }
0x91: {  	s19 =	sld [smem:$0x3FC8]  }
0x92: {  	s4 =	sld [smem:$0x3FD0];
	(tm) =	ssettm $0x1  }
0x93: {  	s5 =	sld [smem:$0x3FFB];
	_ =	sdelay $0x3  }
0x94: {  	_ =	strace s5  }
0x95: {  	s5 =	sld [smem:$0x3FFC];
	_ =	sdelay $0x3  }
0x96: {  	_ =	strace s5  }
0x97: {  	s5 =	sld [smem:$0x3FFD];
	_ =	sdelay $0x3  }
0x98: {  	_ =	strace s5  }
0x99: {  	_ =	strace $0x8FFFFFFF  }
0x9a: {  	s20 =	sld [smem:$0x3FDB];
	_ =	sdelay $0x1  }
0x9b: {  	s6 =	simm.s32 $_scs_section_size  }
0x9c: {  	s7 =	simm.s32 $_size__tile_overlayer_lowered;
	s8 =	simm.s32 $_tile_overlayer_lowered  }
0x9d: {  	s23 =	simm.s32 $0x1BFF;
	s22 =	sshll.u32 s8, $0x1;
	s5 =	sadd.s32 s6, s20  }
0x9e: {  	s9 =	simm.s32 $0x0;
	s21 =	sshll.u32 s7, $0x1;
	s7 =	sadd.s32 s22, s5  }
0x9f: {  	[timem:s9], [sflag:s23] =	dma.local [hbm:s7], s21  }
0xa0: {  	_ =	swait.ge [sflag:s23], s21  }
0xa1: {  	s6 =	ssub.s32 $0x0, s21;
	[sflag:s23] =	ssyncset.done $0x0  }
0xa2: {  	[sflag:s23] =	ssyncadd.s32 s6;
	_ =	sdelay $0x1  }
0xa3: {  	s24 =	simm.s32 $0x1B8B  }
0xa4: {  	_ =	swait.ge [sflag:s24], $0x1  }
0xa5: {  	[sflag:s24] =	ssyncset.done $0x0  }
0xa6: {  	s25 =	simm.s32 $0x1B8E;
	[sflag:s24] =	ssyncadd.s32 $0xFFFFFFFF  }
0xa7: {  	s26 =	simm.s32 $execute0_lowered;
	[smem:$0x3FD2] =	sst s25  }
0xa8: {  	s6 =	sshll.u32 s26, $0x1;
	_ =	strace $0x80000046;
	[dreg:$0x1] =	wrdreg $0xFFFFFFFF  }
0xa9: {  	s28 =	simm.s32 $_size_execute0_lowered;
	s5 =	sadd.s32 s5, s6;
	[dreg:$0x0] =	wrdreg $0x0  }
0xaa: {  	s6 =	sshll.u32 s28, $0x1;
	[dreg:$0x2] =	wrdreg s5  }
0xab: {  	[dreg:$0x3] =	wrdreg s6  }
0xac: {  	[dreg:$0x4] =	wrdreg $0xC0  }
0xad: {  	_ =	task [dreg:s9], $0x5FFFF  }
0xae: {  	[dreg:$0x1] =	wrdreg $0xFFFFFFFF  }
0xaf: {  	[dreg:$0x0] =	wrdreg $0x60  }
0xb0: {  	[dreg:$0x2] =	wrdreg s2  }
0xb1: {  	[dreg:$0x3] =	wrdreg s19  }
0xb2: {  	[dreg:$0x4] =	wrdreg s4  }
0xb3: {  	[dreg:$0x5] =	wrdreg $0x9  }
0xb4: {  	_ =	task.clear_ibuf [dreg:s9], $0x6FFFF;
	_ =	strace $0x90000046  }
0xb5: {  	s29 =	simm.s32 $0x9;
	_ =	strace $0x80000048  }
0xb6: {  	_ =	swait.ge [sflag:s29], $0x1  }
0xb7: {  	[sflag:s29] =	ssyncadd.s32 $0xFFFFFFFF  }
0xb8: {  	_ =	strace $0x90000048  }
0xb9: {  	_ =	sfence  }
0xba: {  	s30 =	sld [smem:$0x0];
	_ =	sdelay $0x2  }
0xbb: {  	s31 =	sshll.u32 s1, $0xD;
	s1 =	sshrl.u32 s1, $0x2  }
0xbc: {  	s3 =	sand.u32 $0x4000, s31;
	s1 =	sadd.s32 s1, s30  }
0xbd: {  	s0 =	sor.u32 s3, s0;
	s1 =	sshll.u32 s1, $0x11  }
0xbe: {  	s0 =	sor.u32 s1, s0  }
0xbf: {  	s0 =	sadd.s32 $0x8F2B, s0  }
0xc0: {  	[sflag:s0] =	ssyncadd.remote.s32 $0x1  }
0xc1: {  	_ =	sfence.sel $0xFFFF  }
0xc2: {  	[dreg:$0x0] =	wrdreg $0xFFFFFFFF;
	(pc) =	sbr.abs _section_cstart, $3  }
0xc3: {  	[dreg:$0x1] =	wrdreg $0xFFFFFFFF  }
0xc4: {  	_ =	task.clear_ibuf [dreg:s9], $0x2FFFF;
	_ =	strace $0x9FFFFFFF  }
0xc5: {  	(tm) =	ssettm $0x7FFFFFFF  }
tec
execute0_lowered:
.L_overlay_start_1:
0x0: {  	(tag) =	ssettag $0x1  }
0x1: {  	s1 =	rddreg [dreg:$0x0]  }
0x2: {  	s4 =	rddreg [dreg:$0x1]  }
0x3: {  	s10 =	rddreg [dreg:$0x2]  }
0x4: {  	s3 =	srdreg.scid;
	s2 =	stileid.u32;
	s13 =	simm.s32 $0x4000  }
0x5: {  	s14 =	simm.s32 $0x8000;
	s15 =	simm.s32 $0x100;
	s16 =	simm.s32 $0xC000  }
0x6: {  	s17 =	simm.s32 $0x180;
	s18 =	simm.s32 $0x10000;
	s19 =	simm.s32 $0x1  }
0x7: {  	s20 =	simm.s32 $0x2;
	s21 =	simm.s32 $0x3;
	s22 =	simm.s32 $0x4  }
0x8: {  	s23 =	simm.s32 $0x5;
	s24 =	simm.s32 $0x6;
	s25 =	simm.s32 $0x7  }
0x9: {  	s26 =	simm.s32 $0x8;
	s28 =	simm.s32 $0x0;
	s9 =	sand.u32 $0x1, s3  }
0xa: {  	s3 =	simm.s32 $0x0;
	s5 =	sshll.u32 s2, $0x7;
	s31 =	sshll.u32 s2, $0x12  }
0xb: {  	s6 =	sshll.u32 s9, $0xB;
	[smem:$0x7FF] =	sst s3;
	s7 =	ssub.s32 $0x2, s9  }
0xc: {  	s12 =	sshll.u32 s9, $0x16;
	s5 =	sor.u32 s6, s5;
	_ =	strace $0x80000047  }
0xd: {  	s30 =	sshrl.u32 s7, $0x1;
	s8 =	sshll.u32 s5, $0xB;
	s5 =	sshll.u32 s5, $0x4  }
0xe: {  	s6 =	ssub.s32 s7, s30;
	s11 =	sadd.s32 s8, s10;
	s4 =	sadd.s32 s4, s5  }
0xf: {  	s5 =	smax.u32 s6, $0x1;
	s10 =	sadd.s32 s12, s10;
	s12 =	simm.s32 $0x80  }
0x10: {  	s6 =	sadd.s32 $0x3E000, s11;
	s7 =	sadd.s32 $0x3E800, s11;
	s8 =	sadd.s32 $0x3F000, s11  }
0x11: {  	s9 =	sadd.s32 $0x3F800, s11;
	s10 =	sadd.s32 s31, s10;
	s11 =	simm.s32 $0x9  }
.LBB2_1:
0x12: {  	[tilespmem:s3], [sflag:$0x9] =	stream.linear.gather [hbm4b:s4+s3], $0x4000, $0x38;
	[tilespmem:$0x14000] =	vst v63  }
0x13: {  	_ =	swait.ge [sflag:s11], $0x4000  }
0x14: {  	[sflag:s11] =	ssyncset.done $0x0  }
0x15: {  	[sflag:s11] =	ssyncadd.s32 $0xFFFFC000  }
0x16: {  	[tilespmem:s13], [sflag:$0x1] =	stream.indirect.gather [hbm4b:s1+s12], $0x80, s3, s12, $0xb8;
	[tilespmem:$0x14000] =	vst v63  }
0x17: {  	_ = 	snop  }
0x18: {  	[tilespmem:s14], [sflag:$0x2] =	stream.indirect.gather [hbm4b:s1+s12], $0x80, s12, s12, $0xb8;
	[tilespmem:$0x14000] =	vst v63  }
0x19: {  	_ = 	snop  }
0x1a: {  	[tilespmem:s16], [sflag:$0x3] =	stream.indirect.gather [hbm4b:s1+s12], $0x80, s15, s12, $0xb8;
	[tilespmem:$0x14000] =	vst v63  }
0x1b: {  	_ = 	snop  }
0x1c: {  	[tilespmem:s18], [sflag:$0x4] =	stream.indirect.gather [hbm4b:s1+s12], $0x80, s17, s12, $0xb8;
	[tilespmem:$0x14000] =	vst v63  }
0x1d: {  	_ =	swait.ge [sflag:s19], $0x4000  }
0x1e: {  	[sflag:s19] =	ssyncset.done $0x0  }
0x1f: {  	[sflag:s19] =	ssyncadd.s32 $0xFFFFC000  }
0x20: {  	[hbm4b:s10+s3] =	stream.linear.scatter [tilespmem:s13], [sflag:$0x5], $0x4000, $0x38;
	[tilespmem:$0x14000] =	vst v63  }
0x21: {  	_ =	swait.ge [sflag:s20], $0x4000  }
0x22: {  	[sflag:s20] =	ssyncset.done $0x0  }
0x23: {  	s29 =	sadd.s32 $0x800, s10;
	[sflag:s20] =	ssyncadd.s32 $0xFFFFC000  }
0x24: {  	[hbm4b:s29+s3] =	stream.linear.scatter [tilespmem:s14], [sflag:$0x6], $0x4000, $0x38;
	[tilespmem:$0x14000] =	vst v63  }
0x25: {  	_ =	swait.ge [sflag:s21], $0x4000  }
0x26: {  	[sflag:s21] =	ssyncset.done $0x0  }
0x27: {  	s29 =	sadd.s32 $0x1000, s10;
	[sflag:s21] =	ssyncadd.s32 $0xFFFFC000  }
0x28: {  	[hbm4b:s29+s3] =	stream.linear.scatter [tilespmem:s16], [sflag:$0x7], $0x4000, $0x38;
	[tilespmem:$0x14000] =	vst v63  }
0x29: {  	_ =	swait.ge [sflag:s22], $0x4000  }
0x2a: {  	[sflag:s22] =	ssyncset.done $0x0  }
0x2b: {  	s29 =	sadd.s32 $0x1800, s10;
	[sflag:s22] =	ssyncadd.s32 $0xFFFFC000  }
0x2c: {  	[hbm4b:s29+s3] =	stream.linear.scatter [tilespmem:s18], [sflag:$0x8], $0x4000, $0x38;
	[tilespmem:$0x14000] =	vst v63  }
0x2d: {  	_ =	swait.ge [sflag:s23], $0x4000  }
0x2e: {  	[sflag:s23] =	ssyncset.done $0x0  }
0x2f: {  	s29 =	simm.s32 $0x200;
	[sflag:s23] =	ssyncadd.s32 $0xFFFFC000  }
0x30: {  	[tilespmem:s13], [sflag:$0x1] =	stream.indirect.gather [hbm4b:s1+s12], $0x80, s29, s12, $0xb8;
	[tilespmem:$0x14000] =	vst v63  }
0x31: {  	_ =	swait.ge [sflag:s24], $0x4000  }
0x32: {  	[sflag:s24] =	ssyncset.done $0x0  }
0x33: {  	s29 =	simm.s32 $0x280;
	[sflag:s24] =	ssyncadd.s32 $0xFFFFC000  }
0x34: {  	[tilespmem:s14], [sflag:$0x2] =	stream.indirect.gather [hbm4b:s1+s12], $0x80, s29, s12, $0xb8;
	[tilespmem:$0x14000] =	vst v63  }
0x35: {  	_ =	swait.ge [sflag:s25], $0x4000  }
0x36: {  	[sflag:s25] =	ssyncset.done $0x0  }
0x37: {  	s29 =	simm.s32 $0x300;
	[sflag:s25] =	ssyncadd.s32 $0xFFFFC000  }
0x38: {  	[tilespmem:s16], [sflag:$0x3] =	stream.indirect.gather [hbm4b:s1+s12], $0x80, s29, s12, $0xb8;
	[tilespmem:$0x14000] =	vst v63  }
0x39: {  	_ =	swait.ge [sflag:s26], $0x4000  }
0x3a: {  	s31 =	simm.s32 $0x380;
	[sflag:s26] =	ssyncset.done $0x0  }
0x3b: {  	s30 =	sadd.s32 $0x2000, s10;
	s29 =	simm.s32 $0x800;
	[sflag:s26] =	ssyncadd.s32 $0xFFFFC000  }
.LBB2_2:
0x3c: {  	[tilespmem:s18], [sflag:$0x4] =	stream.indirect.gather [hbm4b:s1+s12], $0x80, s31, s12, $0xb8;
	[tilespmem:$0x14000] =	vst v63  }
0x3d: {  	s31 =	smov.u32 s29  }
0x3e: {  	p0 =	sne.s32 s29, $0xF000;
	s29 =	sadd.s32 $0x800, s29;
	_ =	swait.ge [sflag:s19], $0x4000  }
0x3f: {  	[sflag:s19] =	ssyncset.done $0x0  }
0x40: {  	[sflag:s19] =	ssyncadd.s32 $0xFFFFC000  }
0x41: {  	[hbm4b:s30+s3] =	stream.linear.scatter [tilespmem:s13], [sflag:$0x5], $0x4000, $0x38;
	[tilespmem:$0x14000] =	vst v63  }
0x42: {  	_ =	swait.ge [sflag:s20], $0x4000  }
0x43: {  	[sflag:s20] =	ssyncset.done $0x0  }
0x44: {  	s0 =	sadd.s32 $0x800, s30;
	[sflag:s20] =	ssyncadd.s32 $0xFFFFC000  }
0x45: {  	[hbm4b:s0+s3] =	stream.linear.scatter [tilespmem:s14], [sflag:$0x6], $0x4000, $0x38;
	[tilespmem:$0x14000] =	vst v63  }
0x46: {  	_ =	swait.ge [sflag:s21], $0x4000  }
0x47: {  	[sflag:s21] =	ssyncset.done $0x0  }
0x48: {  	s0 =	sadd.s32 $0x1000, s30;
	[sflag:s21] =	ssyncadd.s32 $0xFFFFC000  }
0x49: {  	[hbm4b:s0+s3] =	stream.linear.scatter [tilespmem:s16], [sflag:$0x7], $0x4000, $0x38;
	[tilespmem:$0x14000] =	vst v63  }
0x4a: {  	_ =	swait.ge [sflag:s22], $0x4000  }
0x4b: {  	[sflag:s22] =	ssyncset.done $0x0  }
0x4c: {  	s0 =	sadd.s32 $0x1800, s30;
	[sflag:s22] =	ssyncadd.s32 $0xFFFFC000  }
0x4d: {  	[hbm4b:s0+s3] =	stream.linear.scatter [tilespmem:s18], [sflag:$0x8], $0x4000, $0x38;
	[tilespmem:$0x14000] =	vst v63  }
0x4e: {  	_ =	swait.ge [sflag:s23], $0x4000  }
0x4f: {  	s0 =	sshra.s32 s31, $0x2;
	[sflag:s23] =	ssyncset.done $0x0  }
0x50: {  	s31 =	sadd.s32 $0x200, s0;
	[sflag:s23] =	ssyncadd.s32 $0xFFFFC000  }
0x51: {  	[tilespmem:s13], [sflag:$0x1] =	stream.indirect.gather [hbm4b:s1+s12], $0x80, s31, s12, $0xb8;
	[tilespmem:$0x14000] =	vst v63  }
0x52: {  	_ =	swait.ge [sflag:s24], $0x4000  }
0x53: {  	[sflag:s24] =	ssyncset.done $0x0  }
0x54: {  	s31 =	sadd.s32 $0x280, s0;
	[sflag:s24] =	ssyncadd.s32 $0xFFFFC000  }
0x55: {  	[tilespmem:s14], [sflag:$0x2] =	stream.indirect.gather [hbm4b:s1+s12], $0x80, s31, s12, $0xb8;
	[tilespmem:$0x14000] =	vst v63  }
0x56: {  	_ =	swait.ge [sflag:s25], $0x4000  }
0x57: {  	[sflag:s25] =	ssyncset.done $0x0  }
.Ltmp0:
0x58: {  	s31 =	sadd.s32 $0x300, s0;
	[sflag:s25] =	ssyncadd.s32 $0xFFFFC000;
	(pc) =	sbr.rel @p0 .LBB2_2-.Ltmp0, $4  }
0x59: {  	[tilespmem:s16], [sflag:$0x3] =	stream.indirect.gather [hbm4b:s1+s12], $0x80, s31, s12, $0xb8;
	[tilespmem:$0x14000] =	vst v63  }
0x5a: {  	_ =	swait.ge [sflag:s26], $0x4000  }
0x5b: {  	[sflag:s26] =	ssyncset.done $0x0  }
0x5c: {  	s30 =	sadd.s32 $0x2000, s30;
	s31 =	sadd.s32 $0x380, s0;
	[sflag:s26] =	ssyncadd.s32 $0xFFFFC000  }
0x5d: {  	[tilespmem:s18], [sflag:$0x4] =	stream.indirect.gather [hbm4b:s1+s12], $0x80, s31, s12, $0xb8;
	[tilespmem:$0x14000] =	vst v63  }
0x5e: {  	_ =	swait.ge [sflag:s19], $0x4000  }
0x5f: {  	[sflag:s19] =	ssyncset.done $0x0  }
0x60: {  	[sflag:s19] =	ssyncadd.s32 $0xFFFFC000  }
0x61: {  	[hbm4b:s6+s3] =	stream.linear.scatter [tilespmem:s13], [sflag:$0x5], $0x4000, $0x38;
	[tilespmem:$0x14000] =	vst v63  }
0x62: {  	_ =	swait.ge [sflag:s20], $0x4000  }
0x63: {  	[sflag:s20] =	ssyncset.done $0x0  }
0x64: {  	[sflag:s20] =	ssyncadd.s32 $0xFFFFC000  }
0x65: {  	[hbm4b:s7+s3] =	stream.linear.scatter [tilespmem:s14], [sflag:$0x6], $0x4000, $0x38;
	[tilespmem:$0x14000] =	vst v63  }
0x66: {  	_ =	swait.ge [sflag:s21], $0x4000  }
0x67: {  	[sflag:s21] =	ssyncset.done $0x0  }
0x68: {  	[sflag:s21] =	ssyncadd.s32 $0xFFFFC000  }
0x69: {  	[hbm4b:s8+s3] =	stream.linear.scatter [tilespmem:s16], [sflag:$0x7], $0x4000, $0x38;
	[tilespmem:$0x14000] =	vst v63  }
0x6a: {  	_ =	swait.ge [sflag:s22], $0x4000  }
0x6b: {  	[sflag:s22] =	ssyncset.done $0x0  }
0x6c: {  	[sflag:s22] =	ssyncadd.s32 $0xFFFFC000  }
0x6d: {  	[hbm4b:s9+s3] =	stream.linear.scatter [tilespmem:s18], [sflag:$0x8], $0x4000, $0x38;
	[tilespmem:$0x14000] =	vst v63  }
0x6e: {  	_ =	swait.ge [sflag:s23], $0x4000  }
0x6f: {  	[sflag:s23] =	ssyncset.done $0x0  }
0x70: {  	[sflag:s23] =	ssyncadd.s32 $0xFFFFC000  }
0x71: {  	_ =	swait.ge [sflag:s24], $0x4000  }
0x72: {  	[sflag:s24] =	ssyncset.done $0x0  }
0x73: {  	s28 =	sadd.s32 $0x1, s28;
	[sflag:s24] =	ssyncadd.s32 $0xFFFFC000  }
0x74: {  	p0 =	sne.s32 s28, s5;
	_ =	swait.ge [sflag:s25], $0x4000  }
.Ltmp1:
0x75: {  	[sflag:s25] =	ssyncset.done $0x0;
	(pc) =	sbr.rel @p0 .LBB2_1-.Ltmp1, $4  }
0x76: {  	[sflag:s25] =	ssyncadd.s32 $0xFFFFC000  }
0x77: {  	_ =	swait.ge [sflag:s26], $0x4000  }
0x78: {  	[sflag:s26] =	ssyncset.done $0x0  }
0x79: {  	[sflag:s26] =	ssyncadd.s32 $0xFFFFC000  }
0x7a: {  	_ =	sfence.sel $0x180000  }
0x7b: {  	[bflag:$0x0] =	sbarrier.arrive $0xFFFF  }
0x7c: {  	_ =	strace $0x90000047  }
0x7d: {  	[bflag:$0x2] =	sbarrier.arrive $0xFFFF  }
0x7e: {  	p0 =	sne.s32 s2, $0x0;
	s0 =	rddreg [dreg:$0x3]  }
0x7f: {  	s0 =	sadd.s32 @!p0 $0x100000, s0  }
0x80: {  	[sflag:s0] =	ssyncadd.tile.s32 @!p0 $0x1;
	_ =	shalt  }
.Lfunc_end2:
_tile_overlayer_lowered:
.L_overlay_start_2:
0x81: {  	(tag) =	ssettag $0x2  }
0x82: {  	s0 =	rddreg [dreg:$0x0];
	s2 =	stileid.u32  }
0x83: {  	s1 =	rddreg [dreg:$0x1];
	p0 =	sne.s32 s2, $0x0  }
0x84: {  	s3 =	rddreg [dreg:$0x2];
	[bflag:$0x3] =	sbarrier.arrive $0xFFFF;
	s2 =	simm.s32 @!p0 $0x1C09  }
0x85: {  	[timem:s3], [sflag:s2] =	dma.local @!p0 [hbm:s0], s1  }
0x86: {  	s0 =	simm.s32 @!p0 $0x9  }
0x87: {  	_ =	swait.ge @!p0 [sflag:s0], s1  }
0x88: {  	s1 =	ssub.s32 @!p0 $0x0, s1;
	[sflag:s0] =	ssyncset.done @!p0 $0x0  }
0x89: {  	[sflag:s0] =	ssyncadd.s32 @!p0 s1  }
0x8a: {  	[bflag:$0x3] =	sbarrier.arrive $0xFFFF  }
0x8b: {  	_ =	shalt  }

</sc_bundles>
